<compile_context>
chip_gen: v7x
topology: tpu7x:2x2x1
jax: 0.10.2.dev20260603
libtpu: 0.0.44.dev20260713+nightly
codegen_flags: <defaults>
</compile_context>

<pallas_src>
import functools

import jax
import jax.numpy as jnp
from jax import lax
from jax.experimental import pallas as pl
from jax.experimental.pallas import tpu as pltpu
from jax.experimental.pallas import tpu_sc as plsc

N = 20000
C = 81
BD = 324
K = 128
BLK = 1000
NBLK = N // BLK

SC_CORES = 2
SC_SUBCORES = 16
ZROWS = 200
ZCHUNKS = N // ZROWS
ZITER = -(-ZCHUNKS // SC_SUBCORES)


def _zero_body(iw_out, ow_out, zbuf):
    c = lax.axis_index("c")
    s = lax.axis_index("s")
    zero16 = jnp.zeros((16,), jnp.float32)

    def zrow(i, carry):
        for j in range(BD // 16):
            zbuf[i, pl.ds(j * 16, 16)] = zero16
        zbuf[i, pl.ds(BD - 16, 16)] = zero16
        return carry

    lax.fori_loop(0, ZROWS, zrow, 0)

    for k in range(ZITER):
        chunk = s + SC_SUBCORES * k

        @pl.when(jnp.logical_and(chunk < ZCHUNKS, c == 0))
        def _():
            pltpu.sync_copy(zbuf, iw_out.at[pl.ds(chunk * ZROWS, ZROWS), :])

        @pl.when(jnp.logical_and(chunk < ZCHUNKS, c == 1))
        def _():
            pltpu.sync_copy(zbuf, ow_out.at[pl.ds(chunk * ZROWS, ZROWS), :])


_zero_call = functools.partial(
    pl.kernel,
    mesh=plsc.VectorSubcoreMesh(core_axis_name="c", subcore_axis_name="s"),
    out_type=[
        jax.ShapeDtypeStruct((N, BD), jnp.float32),
        jax.ShapeDtypeStruct((N, BD), jnp.float32),
    ],
    scratch_types=[pltpu.VMEM((ZROWS, BD), jnp.float32)],
)(_zero_body)


def _loss_kernel(cls_ref, lab_ref, bp_ref, bt_ref, iw_ref, ow_ref, out_ref):
    x = cls_ref[...]
    lab = lab_ref[...]
    m = jnp.max(x, axis=1, keepdims=True)
    e = jnp.exp(x - m)
    s = jnp.sum(e, axis=1, keepdims=True)
    col = lax.broadcasted_iota(jnp.int32, (BLK, C), 1)
    xl = jnp.sum(jnp.where(col == lab, x, 0.0), axis=1, keepdims=True)
    loss_cls = jnp.log(s) + m - xl

    d = iw_ref[...] * (bp_ref[...] - bt_ref[...])
    a = jnp.abs(d)
    sign = (a < 1.0).astype(jnp.float32)
    in_loss = sign * 0.5 * d * d + (1.0 - sign) * (a - 0.5)
    loss_bbox = jnp.sum(ow_ref[...] * in_loss, axis=1, keepdims=True)

    out_ref[...] = loss_cls + loss_bbox


NG = N // 8


def _select_kernel(loss_ref, lab_ref, labout_ref, gidx_ref, sbits_ref):
    v = loss_ref[...]
    u = lax.bitcast_convert_type(v, jnp.int32)
    ks = jnp.where(u >= 0, u, u ^ jnp.int32(0x7FFFFFFF))

    c0 = jnp.sum((ks >= 0).astype(jnp.float32))
    t0 = jnp.where(c0 >= K, jnp.int32(0), jnp.int32(-(2**31)))

    def tbody(bi, t_acc):
        t = t_acc | lax.shift_left(jnp.int32(1), 30 - bi)
        cnt = jnp.sum((ks >= t).astype(jnp.float32))
        return jnp.where(cnt >= K, t, t_acc)

    tthr = lax.fori_loop(0, 31, tbody, t0)

    gt = ks > tthr
    eq = ks == tthr
    need = jnp.float32(K) - jnp.sum(gt.astype(jnp.float32))

    eqf = eq.astype(jnp.float32)
    lt_b = (lax.broadcasted_iota(jnp.int32, (BLK, BLK), 0)
            <= lax.broadcasted_iota(jnp.int32, (BLK, BLK), 1)
            ).astype(jnp.float32)
    incl = jnp.dot(eqf, lt_b, preferred_element_type=jnp.float32)
    rowtot = jnp.sum(eqf, axis=1, keepdims=True)
    ls_r = (lax.broadcasted_iota(jnp.int32, (NBLK, NBLK), 1)
            < lax.broadcasted_iota(jnp.int32, (NBLK, NBLK), 0)
            ).astype(jnp.float32)
    rowpre = jnp.dot(ls_r, rowtot, preferred_element_type=jnp.float32)
    rank = rowpre + incl - eqf
    keep = jnp.where(jnp.logical_or(gt, jnp.logical_and(eq, rank < need)),
                     1.0, 0.0)

    labout_ref[...] = jnp.where(keep > 0.0, lab_ref[...], -1)

    NQ = BLK // 8
    lane2 = lax.broadcasted_iota(jnp.int32, (NBLK, BLK), 1)
    w = lax.shift_left(jnp.int32(1), lane2 % 8).astype(jnp.float32)
    gsel = (lax.broadcasted_iota(jnp.int32, (BLK, NQ), 0) // 8
            == lax.broadcasted_iota(jnp.int32, (BLK, NQ), 1))
    bits = jnp.dot(keep * w, gsel.astype(jnp.float32),
                   preferred_element_type=jnp.float32)

    nzf = (bits > 0.0).astype(jnp.float32)
    cellf = (lax.broadcasted_iota(jnp.int32, (NBLK, NQ), 0) * NQ
             + lax.broadcasted_iota(jnp.int32, (NBLK, NQ), 1)
             ).astype(jnp.float32)
    lt_q = (lax.broadcasted_iota(jnp.int32, (NQ, NQ), 0)
            <= lax.broadcasted_iota(jnp.int32, (NQ, NQ), 1)
            ).astype(jnp.float32)
    incl2 = jnp.dot(nzf, lt_q, preferred_element_type=jnp.float32)
    rowtot2 = jnp.sum(nzf, axis=1, keepdims=True)
    rowpre2 = jnp.dot(ls_r, rowtot2, preferred_element_type=jnp.float32)
    srank = rowpre2 + incl2 - nzf
    cnt2 = jnp.sum(nzf)

    s_iota = lax.broadcasted_iota(jnp.int32, (NBLK, NQ, K), 2
                                  ).astype(jnp.float32)
    oh = jnp.where(jnp.logical_and(srank[:, :, None] == s_iota,
                                   nzf[:, :, None] > 0.0), 1.0, 0.0)
    gidx_l = jnp.sum(oh * cellf[:, :, None], axis=(0, 1))
    sbits_l = jnp.sum(oh * bits[:, :, None], axis=(0, 1))

    g1 = jnp.sum(jnp.where(srank == 0.0, nzf * cellf, 0.0))
    b1 = jnp.sum(jnp.where(srank == 0.0, nzf * bits, 0.0))
    sl = lax.broadcasted_iota(jnp.int32, (K,), 0).astype(jnp.float32)
    gidx_l = jnp.where(sl < cnt2, gidx_l, g1)
    sbits_l = jnp.where(sl < cnt2, sbits_l, b1)

    gidx_ref[...] = gidx_l.astype(jnp.int32).reshape(K, 1)
    sbits_ref[...] = sbits_l.astype(jnp.int32).reshape(K, 1)


def _scatter_kernel(g_ref, sbits_ref, iw_ref, ow_ref, iwz_ref, owz_ref,
                    iwo_ref, owo_ref, bufi, bufo, semg, semo):
    def fire(i, c):
        g = g_ref[i]
        pltpu.make_async_copy(
            iw_ref.at[pl.ds(g * 8, 8), :], bufi.at[i], semg).start()
        pltpu.make_async_copy(
            ow_ref.at[pl.ds(g * 8, 8), :], bufo.at[i], semg).start()
        return c

    lax.fori_loop(0, K, fire, 0)

    def drain_in(i, c):
        g = g_ref[i]
        pltpu.make_async_copy(
            iw_ref.at[pl.ds(g * 8, 8), :], bufi.at[i], semg).wait()
        pltpu.make_async_copy(
            ow_ref.at[pl.ds(g * 8, 8), :], bufo.at[i], semg).wait()
        return c

    lax.fori_loop(0, K, drain_in, 0)

    sb3 = sbits_ref[...].reshape(K, 1, 1)
    sub3 = lax.broadcasted_iota(jnp.int32, (1, 8, 1), 1)
    rowm = (lax.shift_right_logical(sb3, sub3) & 1) > 0
    bufi[...] = jnp.where(rowm, bufi[...], 0.0)
    bufo[...] = jnp.where(rowm, bufo[...], 0.0)

    def fire_out(i, c):
        g = g_ref[i]
        pltpu.make_async_copy(
            bufi.at[i], iwo_ref.at[pl.ds(g * 8, 8), :], semo).start()
        pltpu.make_async_copy(
            bufo.at[i], owo_ref.at[pl.ds(g * 8, 8), :], semo).start()
        return c

    lax.fori_loop(0, K, fire_out, 0)

    def drain_out(i, c):
        g = g_ref[i]
        pltpu.make_async_copy(
            bufi.at[i], iwo_ref.at[pl.ds(g * 8, 8), :], semo).wait()
        pltpu.make_async_copy(
            bufo.at[i], owo_ref.at[pl.ds(g * 8, 8), :], semo).wait()
        return c

    lax.fori_loop(0, K, drain_out, 0)


@jax.jit
def kernel(cls_score, bbox_pred, labels, bbox_targets, inside_ws, outside_ws):
    iw_z, ow_z = _zero_call()

    lab2 = labels.reshape(N, 1)
    loss = pl.pallas_call(
        _loss_kernel,
        grid=(NBLK,),
        in_specs=[
            pl.BlockSpec((BLK, C), lambda i: (i, 0)),
            pl.BlockSpec((BLK, 1), lambda i: (i, 0)),
            pl.BlockSpec((BLK, BD), lambda i: (i, 0)),
            pl.BlockSpec((BLK, BD), lambda i: (i, 0)),
            pl.BlockSpec((BLK, BD), lambda i: (i, 0)),
            pl.BlockSpec((BLK, BD), lambda i: (i, 0)),
        ],
        out_specs=pl.BlockSpec((BLK, 1), lambda i: (i, 0)),
        out_shape=jax.ShapeDtypeStruct((N, 1), jnp.float32),
    )(cls_score, lab2, bbox_pred, bbox_targets, inside_ws, outside_ws)

    lab_ohem2d, gidxv, sbitsv = pl.pallas_call(
        _select_kernel,
        in_specs=[
            pl.BlockSpec((NBLK, BLK), lambda: (0, 0)),
            pl.BlockSpec((NBLK, BLK), lambda: (0, 0)),
        ],
        out_specs=[
            pl.BlockSpec((NBLK, BLK), lambda: (0, 0)),
            pl.BlockSpec((K, 1), lambda: (0, 0)),
            pl.BlockSpec((K, 1), lambda: (0, 0)),
        ],
        out_shape=[
            jax.ShapeDtypeStruct((NBLK, BLK), labels.dtype),
            jax.ShapeDtypeStruct((K, 1), jnp.int32),
            jax.ShapeDtypeStruct((K, 1), jnp.int32),
        ],
    )(loss.reshape(NBLK, BLK), labels.reshape(NBLK, BLK))

    grid_spec = pltpu.PrefetchScalarGridSpec(
        num_scalar_prefetch=1,
        grid=(1,),
        in_specs=[
            pl.BlockSpec((K, 1), lambda i, g: (0, 0)),
            pl.BlockSpec(memory_space=pl.ANY),
            pl.BlockSpec(memory_space=pl.ANY),
            pl.BlockSpec(memory_space=pl.ANY),
            pl.BlockSpec(memory_space=pl.ANY),
        ],
        out_specs=[
            pl.BlockSpec(memory_space=pl.ANY),
            pl.BlockSpec(memory_space=pl.ANY),
        ],
        scratch_shapes=[
            pltpu.VMEM((K, 8, BD), jnp.float32),
            pltpu.VMEM((K, 8, BD), jnp.float32),
            pltpu.SemaphoreType.DMA,
            pltpu.SemaphoreType.DMA,
        ],
    )
    iw_o, ow_o = pl.pallas_call(
        _scatter_kernel,
        grid_spec=grid_spec,
        out_shape=[
            jax.ShapeDtypeStruct((N, BD), jnp.float32),
            jax.ShapeDtypeStruct((N, BD), jnp.float32),
        ],
        input_output_aliases={4: 0, 5: 1},
    )(gidxv.reshape(K), sbitsv,
      inside_ws, outside_ws, iw_z, ow_z)

    return (lab_ohem2d.reshape(N), iw_o, ow_o)

# --- scband reference (transcript-rebuilt; emitter-appended) ---
"""Pipeline reference for scband-box-annotator-ohem-66898410602514 (READ-ONLY COPY).

The authoritative reference and input builder live on the scoring server;
editing this copy changes nothing except your own understanding.
"""

import jax, jax.numpy as jnp
import numpy as np

ROI_PER_IMG = 128


def _smooth_l1_loss(bbox_pred, bbox_targets, inside_ws, outside_ws, sigma=1.0):
    sigma2 = sigma * sigma
    in_box_diff = inside_ws * (bbox_pred - bbox_targets)
    abs_in_box_diff = jnp.abs(in_box_diff)
    smooth_l1_sign = (abs_in_box_diff < 1.0 / sigma2).astype(bbox_pred.dtype)
    in_loss_box = (smooth_l1_sign * 0.5 * sigma2 * in_box_diff * in_box_diff
                   + (1.0 - smooth_l1_sign) * (abs_in_box_diff - 0.5 / sigma2))
    out_loss_box = outside_ws * in_loss_box
    # reduce=False -> per-roi loss (sum over bbox coordinate dims)
    return jnp.sum(out_loss_box, axis=1)


def setup_inputs(seed: int = 0) -> dict:
    key = jax.random.key(seed)
    ks = jax.random.split(key, 6)
    N = 20000
    C = 81
    R = 81
    cls_score = jax.random.normal(ks[0], (N, C), dtype=jnp.float32)
    bbox_pred = jax.random.normal(ks[1], (N, 4 * R), dtype=jnp.float32)
    labels = jax.random.randint(ks[2], (N,), 0, C)
    bbox_targets = jax.random.normal(ks[3], (N, 4 * R), dtype=jnp.float32)
    inside_ws = jax.random.uniform(ks[4], (N, 4 * R), dtype=jnp.float32)
    outside_ws = jax.random.uniform(ks[5], (N, 4 * R), dtype=jnp.float32)
    return {"cls_score": cls_score, "bbox_pred": bbox_pred, "labels": labels,
            "bbox_targets": bbox_targets, "inside_ws": inside_ws, "outside_ws": outside_ws}


def reference(cls_score, bbox_pred, labels, bbox_targets, inside_ws, outside_ws):
    N = cls_score.shape[0]
    probs = jax.nn.softmax(cls_score, axis=1)
    per_roi_loss_cls = probs[jnp.arange(N), labels]
    per_roi_loss_cls = -1.0 * jnp.log(per_roi_loss_cls)
    per_roi_loss_cls = per_roi_loss_cls.reshape((-1,))
    per_roi_loss_bbox = _smooth_l1_loss(bbox_pred, bbox_targets, inside_ws, outside_ws)
    total_loss = per_roi_loss_cls + per_roi_loss_bbox
    top_k_per_roi_loss = jnp.argsort(-total_loss)  # descending order indices
    drop_idx = top_k_per_roi_loss[ROI_PER_IMG:]
    labels_ohem = labels.at[drop_idx].set(-1)
    bbox_weights_inside_ohem = inside_ws.at[drop_idx].set(0.0)
    bbox_weights_outside_ohem = outside_ws.at[drop_idx].set(0.0)
    return (labels_ohem, bbox_weights_inside_ohem, bbox_weights_outside_ohem)

if __name__ == "__main__":
    import jax
    _d = setup_inputs()
    print(jax.jit(kernel)(*tuple(_d.values())))

</pallas_src>

<mosaic_0001>
#map = affine_map<(d0, d1) -> (0, 0)>
module attributes {stable_mosaic.version = 14 : i64} {
  func.func @_zero_body(%arg0: i32, %arg1: i32, %arg2: memref<20000x324xf32, #tpu.memory_space<hbm>>, %arg3: memref<20000x324xf32, #tpu.memory_space<hbm>>, %arg4: memref<200x324xf32, #tpu.memory_space<vmem>>) attributes {dimension_semantics = [#tpu.dimension_semantics<core_parallel>, #tpu.dimension_semantics<subcore_parallel>], iteration_bounds = array<i64: 2, 16>, scalar_prefetch = 0 : i64, scratch_operands = 1 : i64, tpu.core_type = #tpu.core_type<sc_vector_subcore>, window_params = [{transform_indices = #map}, {transform_indices = #map}]} {
    %broadcast_in_dim3A = arith.constant 0.000000e+00 : f32
    %broadcast_in_dim3A_0 = vector.broadcast %broadcast_in_dim3A : f32 to vector<16xf32>
    %scan3A = arith.constant 0 : i32
    %scan3A_1 = arith.constant 0 : i32
    %scan3A_2 = arith.constant 200 : i32
    %scan3A_3 = arith.addi %scan3A_1, %scan3A_2 : i32
    %scan3A_4 = arith.constant 1 : i32
    scf.for %scan3A_126 = %scan3A_1 to %scan3A_3 step %scan3A_4  : i32 {
      %swap3A = arith.index_cast %scan3A_126 : i32 to index
      %swap3A_127 = arith.constant 0 : index
      %swap3A_128 = tpu.vector_load %arg4[%swap3A, %swap3A_127] {strides = array<i32>} : memref<200x324xf32, #tpu.memory_space<vmem>>, vector<1x16xf32>,
      %swap3A_129 = vector.shape_cast %swap3A_128 : vector<1x16xf32> to vector<16xf32>
      %swap3A_130 = vector.shape_cast %broadcast_in_dim3A_0 : vector<16xf32> to vector<1x16xf32>
      tpu.vector_store %arg4[%swap3A, %swap3A_127], %swap3A_130 {strides = array<i32>} : memref<200x324xf32, #tpu.memory_space<vmem>>, vector<1x16xf32>,
      %swap3A_131 = arith.index_cast %scan3A_126 : i32 to index
      %swap3A_132 = arith.constant 16 : index
      %swap3A_133 = tpu.vector_load %arg4[%swap3A_131, %swap3A_132] {strides = array<i32>} : memref<200x324xf32, #tpu.memory_space<vmem>>, vector<1x16xf32>,
      %swap3A_134 = vector.shape_cast %swap3A_133 : vector<1x16xf32> to vector<16xf32>
      %swap3A_135 = vector.shape_cast %broadcast_in_dim3A_0 : vector<16xf32> to vector<1x16xf32>
      tpu.vector_store %arg4[%swap3A_131, %swap3A_132], %swap3A_135 {strides = array<i32>} : memref<200x324xf32, #tpu.memory_space<vmem>>, vector<1x16xf32>,
      %swap3A_136 = arith.index_cast %scan3A_126 : i32 to index
      %swap3A_137 = arith.constant 32 : index
      %swap3A_138 = tpu.vector_load %arg4[%swap3A_136, %swap3A_137] {strides = array<i32>} : memref<200x324xf32, #tpu.memory_space<vmem>>, vector<1x16xf32>,
      %swap3A_139 = vector.shape_cast %swap3A_138 : vector<1x16xf32> to vector<16xf32>
      %swap3A_140 = vector.shape_cast %broadcast_in_dim3A_0 : vector<16xf32> to vector<1x16xf32>
      tpu.vector_store %arg4[%swap3A_136, %swap3A_137], %swap3A_140 {strides = array<i32>} : memref<200x324xf32, #tpu.memory_space<vmem>>, vector<1x16xf32>,
      %swap3A_141 = arith.index_cast %scan3A_126 : i32 to index
      %swap3A_142 = arith.constant 48 : index
      %swap3A_143 = tpu.vector_load %arg4[%swap3A_141, %swap3A_142] {strides = array<i32>} : memref<200x324xf32, #tpu.memory_space<vmem>>, vector<1x16xf32>,
      %swap3A_144 = vector.shape_cast %swap3A_143 : vector<1x16xf32> to vector<16xf32>
      %swap3A_145 = vector.shape_cast %broadcast_in_dim3A_0 : vector<16xf32> to vector<1x16xf32>
      tpu.vector_store %arg4[%swap3A_141, %swap3A_142], %swap3A_145 {strides = array<i32>} : memref<200x324xf32, #tpu.memory_space<vmem>>, vector<1x16xf32>,
      %swap3A_146 = arith.index_cast %scan3A_126 : i32 to index
      %swap3A_147 = arith.constant 64 : index
      %swap3A_148 = tpu.vector_load %arg4[%swap3A_146, %swap3A_147] {strides = array<i32>} : memref<200x324xf32, #tpu.memory_space<vmem>>, vector<1x16xf32>,
      %swap3A_149 = vector.shape_cast %swap3A_148 : vector<1x16xf32> to vector<16xf32>
      %swap3A_150 = vector.shape_cast %broadcast_in_dim3A_0 : vector<16xf32> to vector<1x16xf32>
      tpu.vector_store %arg4[%swap3A_146, %swap3A_147], %swap3A_150 {strides = array<i32>} : memref<200x324xf32, #tpu.memory_space<vmem>>, vector<1x16xf32>,
      %swap3A_151 = arith.index_cast %scan3A_126 : i32 to index
      %swap3A_152 = arith.constant 80 : index
      %swap3A_153 = tpu.vector_load %arg4[%swap3A_151, %swap3A_152] {strides = array<i32>} : memref<200x324xf32, #tpu.memory_space<vmem>>, vector<1x16xf32>,
      %swap3A_154 = vector.shape_cast %swap3A_153 : vector<1x16xf32> to vector<16xf32>
      %swap3A_155 = vector.shape_cast %broadcast_in_dim3A_0 : vector<16xf32> to vector<1x16xf32>
      tpu.vector_store %arg4[%swap3A_151, %swap3A_152], %swap3A_155 {strides = array<i32>} : memref<200x324xf32, #tpu.memory_space<vmem>>, vector<1x16xf32>,
      %swap3A_156 = arith.index_cast %scan3A_126 : i32 to index
      %swap3A_157 = arith.constant 96 : index
      %swap3A_158 = tpu.vector_load %arg4[%swap3A_156, %swap3A_157] {strides = array<i32>} : memref<200x324xf32, #tpu.memory_space<vmem>>, vector<1x16xf32>,
      %swap3A_159 = vector.shape_cast %swap3A_158 : vector<1x16xf32> to vector<16xf32>
      %swap3A_160 = vector.shape_cast %broadcast_in_dim3A_0 : vector<16xf32> to vector<1x16xf32>
      tpu.vector_store %arg4[%swap3A_156, %swap3A_157], %swap3A_160 {strides = array<i32>} : memref<200x324xf32, #tpu.memory_space<vmem>>, vector<1x16xf32>,
      %swap3A_161 = arith.index_cast %scan3A_126 : i32 to index
      %swap3A_162 = arith.constant 112 : index
      %swap3A_163 = tpu.vector_load %arg4[%swap3A_161, %swap3A_162] {strides = array<i32>} : memref<200x324xf32, #tpu.memory_space<vmem>>, vector<1x16xf32>,
      %swap3A_164 = vector.shape_cast %swap3A_163 : vector<1x16xf32> to vector<16xf32>
      %swap3A_165 = vector.shape_cast %broadcast_in_dim3A_0 : vector<16xf32> to vector<1x16xf32>
      tpu.vector_store %arg4[%swap3A_161, %swap3A_162], %swap3A_165 {strides = array<i32>} : memref<200x324xf32, #tpu.memory_space<vmem>>, vector<1x16xf32>,
      %swap3A_166 = arith.index_cast %scan3A_126 : i32 to index
      %swap3A_167 = arith.constant 128 : index
      %swap3A_168 = tpu.vector_load %arg4[%swap3A_166, %swap3A_167] {strides = array<i32>} : memref<200x324xf32, #tpu.memory_space<vmem>>, vector<1x16xf32>,
      %swap3A_169 = vector.shape_cast %swap3A_168 : vector<1x16xf32> to vector<16xf32>
      %swap3A_170 = vector.shape_cast %broadcast_in_dim3A_0 : vector<16xf32> to vector<1x16xf32>
      tpu.vector_store %arg4[%swap3A_166, %swap3A_167], %swap3A_170 {strides = array<i32>} : memref<200x324xf32, #tpu.memory_space<vmem>>, vector<1x16xf32>,
      %swap3A_171 = arith.index_cast %scan3A_126 : i32 to index
      %swap3A_172 = arith.constant 144 : index
      %swap3A_173 = tpu.vector_load %arg4[%swap3A_171, %swap3A_172] {strides = array<i32>} : memref<200x324xf32, #tpu.memory_space<vmem>>, vector<1x16xf32>,
      %swap3A_174 = vector.shape_cast %swap3A_173 : vector<1x16xf32> to vector<16xf32>
      %swap3A_175 = vector.shape_cast %broadcast_in_dim3A_0 : vector<16xf32> to vector<1x16xf32>
      tpu.vector_store %arg4[%swap3A_171, %swap3A_172], %swap3A_175 {strides = array<i32>} : memref<200x324xf32, #tpu.memory_space<vmem>>, vector<1x16xf32>,
      %swap3A_176 = arith.index_cast %scan3A_126 : i32 to index
      %swap3A_177 = arith.constant 160 : index
      %swap3A_178 = tpu.vector_load %arg4[%swap3A_176, %swap3A_177] {strides = array<i32>} : memref<200x324xf32, #tpu.memory_space<vmem>>, vector<1x16xf32>,
      %swap3A_179 = vector.shape_cast %swap3A_178 : vector<1x16xf32> to vector<16xf32>
      %swap3A_180 = vector.shape_cast %broadcast_in_dim3A_0 : vector<16xf32> to vector<1x16xf32>
      tpu.vector_store %arg4[%swap3A_176, %swap3A_177], %swap3A_180 {strides = array<i32>} : memref<200x324xf32, #tpu.memory_space<vmem>>, vector<1x16xf32>,
      %swap3A_181 = arith.index_cast %scan3A_126 : i32 to index
      %swap3A_182 = arith.constant 176 : index
      %swap3A_183 = tpu.vector_load %arg4[%swap3A_181, %swap3A_182] {strides = array<i32>} : memref<200x324xf32, #tpu.memory_space<vmem>>, vector<1x16xf32>,
      %swap3A_184 = vector.shape_cast %swap3A_183 : vector<1x16xf32> to vector<16xf32>
      %swap3A_185 = vector.shape_cast %broadcast_in_dim3A_0 : vector<16xf32> to vector<1x16xf32>
      tpu.vector_store %arg4[%swap3A_181, %swap3A_182], %swap3A_185 {strides = array<i32>} : memref<200x324xf32, #tpu.memory_space<vmem>>, vector<1x16xf32>,
      %swap3A_186 = arith.index_cast %scan3A_126 : i32 to index
      %swap3A_187 = arith.constant 192 : index
      %swap3A_188 = tpu.vector_load %arg4[%swap3A_186, %swap3A_187] {strides = array<i32>} : memref<200x324xf32, #tpu.memory_space<vmem>>, vector<1x16xf32>,
      %swap3A_189 = vector.shape_cast %swap3A_188 : vector<1x16xf32> to vector<16xf32>
      %swap3A_190 = vector.shape_cast %broadcast_in_dim3A_0 : vector<16xf32> to vector<1x16xf32>
      tpu.vector_store %arg4[%swap3A_186, %swap3A_187], %swap3A_190 {strides = array<i32>} : memref<200x324xf32, #tpu.memory_space<vmem>>, vector<1x16xf32>,
      %swap3A_191 = arith.index_cast %scan3A_126 : i32 to index
      %swap3A_192 = arith.constant 208 : index
      %swap3A_193 = tpu.vector_load %arg4[%swap3A_191, %swap3A_192] {strides = array<i32>} : memref<200x324xf32, #tpu.memory_space<vmem>>, vector<1x16xf32>,
      %swap3A_194 = vector.shape_cast %swap3A_193 : vector<1x16xf32> to vector<16xf32>
      %swap3A_195 = vector.shape_cast %broadcast_in_dim3A_0 : vector<16xf32> to vector<1x16xf32>
      tpu.vector_store %arg4[%swap3A_191, %swap3A_192], %swap3A_195 {strides = array<i32>} : memref<200x324xf32, #tpu.memory_space<vmem>>, vector<1x16xf32>,
      %swap3A_196 = arith.index_cast %scan3A_126 : i32 to index
      %swap3A_197 = arith.constant 224 : index
      %swap3A_198 = tpu.vector_load %arg4[%swap3A_196, %swap3A_197] {strides = array<i32>} : memref<200x324xf32, #tpu.memory_space<vmem>>, vector<1x16xf32>,
      %swap3A_199 = vector.shape_cast %swap3A_198 : vector<1x16xf32> to vector<16xf32>
      %swap3A_200 = vector.shape_cast %broadcast_in_dim3A_0 : vector<16xf32> to vector<1x16xf32>
      tpu.vector_store %arg4[%swap3A_196, %swap3A_197], %swap3A_200 {strides = array<i32>} : memref<200x324xf32, #tpu.memory_space<vmem>>, vector<1x16xf32>,
      %swap3A_201 = arith.index_cast %scan3A_126 : i32 to index
      %swap3A_202 = arith.constant 240 : index
      %swap3A_203 = tpu.vector_load %arg4[%swap3A_201, %swap3A_202] {strides = array<i32>} : memref<200x324xf32, #tpu.memory_space<vmem>>, vector<1x16xf32>,
      %swap3A_204 = vector.shape_cast %swap3A_203 : vector<1x16xf32> to vector<16xf32>
      %swap3A_205 = vector.shape_cast %broadcast_in_dim3A_0 : vector<16xf32> to vector<1x16xf32>
      tpu.vector_store %arg4[%swap3A_201, %swap3A_202], %swap3A_205 {strides = array<i32>} : memref<200x324xf32, #tpu.memory_space<vmem>>, vector<1x16xf32>,
      %swap3A_206 = arith.index_cast %scan3A_126 : i32 to index
      %swap3A_207 = arith.constant 256 : index
      %swap3A_208 = tpu.vector_load %arg4[%swap3A_206, %swap3A_207] {strides = array<i32>} : memref<200x324xf32, #tpu.memory_space<vmem>>, vector<1x16xf32>,
      %swap3A_209 = vector.shape_cast %swap3A_208 : vector<1x16xf32> to vector<16xf32>
      %swap3A_210 = vector.shape_cast %broadcast_in_dim3A_0 : vector<16xf32> to vector<1x16xf32>
      tpu.vector_store %arg4[%swap3A_206, %swap3A_207], %swap3A_210 {strides = array<i32>} : memref<200x324xf32, #tpu.memory_space<vmem>>, vector<1x16xf32>,
      %swap3A_211 = arith.index_cast %scan3A_126 : i32 to index
      %swap3A_212 = arith.constant 272 : index
      %swap3A_213 = tpu.vector_load %arg4[%swap3A_211, %swap3A_212] {strides = array<i32>} : memref<200x324xf32, #tpu.memory_space<vmem>>, vector<1x16xf32>,
      %swap3A_214 = vector.shape_cast %swap3A_213 : vector<1x16xf32> to vector<16xf32>
      %swap3A_215 = vector.shape_cast %broadcast_in_dim3A_0 : vector<16xf32> to vector<1x16xf32>
      tpu.vector_store %arg4[%swap3A_211, %swap3A_212], %swap3A_215 {strides = array<i32>} : memref<200x324xf32, #tpu.memory_space<vmem>>, vector<1x16xf32>,
      %swap3A_216 = arith.index_cast %scan3A_126 : i32 to index
      %swap3A_217 = arith.constant 288 : index
      %swap3A_218 = tpu.vector_load %arg4[%swap3A_216, %swap3A_217] {strides = array<i32>} : memref<200x324xf32, #tpu.memory_space<vmem>>, vector<1x16xf32>,
      %swap3A_219 = vector.shape_cast %swap3A_218 : vector<1x16xf32> to vector<16xf32>
      %swap3A_220 = vector.shape_cast %broadcast_in_dim3A_0 : vector<16xf32> to vector<1x16xf32>
      tpu.vector_store %arg4[%swap3A_216, %swap3A_217], %swap3A_220 {strides = array<i32>} : memref<200x324xf32, #tpu.memory_space<vmem>>, vector<1x16xf32>,
      %swap3A_221 = arith.index_cast %scan3A_126 : i32 to index
      %swap3A_222 = arith.constant 304 : index
      %swap3A_223 = tpu.vector_load %arg4[%swap3A_221, %swap3A_222] {strides = array<i32>} : memref<200x324xf32, #tpu.memory_space<vmem>>, vector<1x16xf32>,
      %swap3A_224 = vector.shape_cast %swap3A_223 : vector<1x16xf32> to vector<16xf32>
      %swap3A_225 = vector.shape_cast %broadcast_in_dim3A_0 : vector<16xf32> to vector<1x16xf32>
      tpu.vector_store %arg4[%swap3A_221, %swap3A_222], %swap3A_225 {strides = array<i32>} : memref<200x324xf32, #tpu.memory_space<vmem>>, vector<1x16xf32>,
      %swap3A_226 = arith.index_cast %scan3A_126 : i32 to index
      %swap3A_227 = arith.constant 308 : index
      %swap3A_228 = tpu.vector_load %arg4[%swap3A_226, %swap3A_227] {strides = array<i32>} : memref<200x324xf32, #tpu.memory_space<vmem>>, vector<1x16xf32>,
      %swap3A_229 = vector.shape_cast %swap3A_228 : vector<1x16xf32> to vector<16xf32>
      %swap3A_230 = vector.shape_cast %broadcast_in_dim3A_0 : vector<16xf32> to vector<1x16xf32>
      tpu.vector_store %arg4[%swap3A_226, %swap3A_227], %swap3A_230 {strides = array<i32>} : memref<200x324xf32, #tpu.memory_space<vmem>>, vector<1x16xf32>,
    }
    %scan3A_5 = arith.constant 200 : i32
    %add3A = arith.constant 0 : i32
    %add3A_6 = arith.addi %arg1, %add3A : i32
    %lt3A = arith.constant 100 : i32
    %lt3A_7 = arith.cmpi slt, %add3A_6, %lt3A : i32
    %eq3A = arith.constant 0 : i32
    %eq3A_8 = arith.cmpi eq, %arg0, %eq3A : i32
    %and3A = arith.andi %lt3A_7, %eq3A_8 : i1
    %convert_element_type3A = arith.extui %and3A : i1 to i32
    %cond3A = arith.constant 0 : i32
    %cond3A_9 = arith.cmpi ne, %convert_element_type3A, %cond3A : i32
    scf.if %cond3A_9 {
      %mul3A = arith.constant 200 : i32
      %mul3A_126 = arith.muli %add3A_6, %mul3A : i32
      "tpu.region"() ({
        %run_scoped3A = tpu.sem_alloc : memref<!tpu.dma_semaphore, #tpu.memory_space<semaphore_mem>>
        %dma_start3A = arith.constant 0 : i32
        %dma_start3A_127 = tpu.memref_slice %arg2[%mul3A_126, %dma_start3A] : memref<20000x324xf32, #tpu.memory_space<hbm>> -> memref<200x324xf32, #tpu.memory_space<hbm>>
        %dma_start3A_128 = arith.constant 0 : i32
        %dma_start3A_129 = tpu.memref_slice %arg2[%mul3A_126, %dma_start3A_128] : memref<20000x324xf32, #tpu.memory_space<hbm>> -> memref<200x324xf32, #tpu.memory_space<hbm>>
        tpu.enqueue_dma source(%arg4 : memref<200x324xf32, #tpu.memory_space<vmem>>) target(%dma_start3A_129 : memref<200x324xf32, #tpu.memory_space<hbm>>) target_semaphore(%run_scoped3A : memref<!tpu.dma_semaphore, #tpu.memory_space<semaphore_mem>>)
        %dma_wait3A = arith.constant 0 : i32
        %dma_wait3A_130 = tpu.memref_slice %arg2[%mul3A_126, %dma_wait3A] : memref<20000x324xf32, #tpu.memory_space<hbm>> -> memref<200x324xf32, #tpu.memory_space<hbm>>
        %dma_wait3A_131 = arith.constant 0 : i32
        %dma_wait3A_132 = tpu.memref_slice %arg2[%mul3A_126, %dma_wait3A_131] : memref<20000x324xf32, #tpu.memory_space<hbm>> -> memref<200x324xf32, #tpu.memory_space<hbm>>
        tpu.wait_dma2 semaphore(%run_scoped3A : memref<!tpu.dma_semaphore, #tpu.memory_space<semaphore_mem>>) src(%arg4 : memref<200x324xf32, #tpu.memory_space<vmem>>) dst(%dma_wait3A_132 : memref<200x324xf32, #tpu.memory_space<hbm>>)
        tpu.yield
      }) : () -> ()
    } else {
    }
    %lt3A_10 = arith.constant 100 : i32
    %lt3A_11 = arith.cmpi slt, %add3A_6, %lt3A_10 : i32
    %eq3A_12 = arith.constant 1 : i32
    %eq3A_13 = arith.cmpi eq, %arg0, %eq3A_12 : i32
    %and3A_14 = arith.andi %lt3A_11, %eq3A_13 : i1
    %convert_element_type3A_15 = arith.extui %and3A_14 : i1 to i32
    %cond3A_16 = arith.constant 0 : i32
    %cond3A_17 = arith.cmpi ne, %convert_element_type3A_15, %cond3A_16 : i32
    scf.if %cond3A_17 {
      %mul3A = arith.constant 200 : i32
      %mul3A_126 = arith.muli %add3A_6, %mul3A : i32
      "tpu.region"() ({
        %run_scoped3A = tpu.sem_alloc : memref<!tpu.dma_semaphore, #tpu.memory_space<semaphore_mem>>
        %dma_start3A = arith.constant 0 : i32
        %dma_start3A_127 = tpu.memref_slice %arg3[%mul3A_126, %dma_start3A] : memref<20000x324xf32, #tpu.memory_space<hbm>> -> memref<200x324xf32, #tpu.memory_space<hbm>>
        %dma_start3A_128 = arith.constant 0 : i32
        %dma_start3A_129 = tpu.memref_slice %arg3[%mul3A_126, %dma_start3A_128] : memref<20000x324xf32, #tpu.memory_space<hbm>> -> memref<200x324xf32, #tpu.memory_space<hbm>>
        tpu.enqueue_dma source(%arg4 : memref<200x324xf32, #tpu.memory_space<vmem>>) target(%dma_start3A_129 : memref<200x324xf32, #tpu.memory_space<hbm>>) target_semaphore(%run_scoped3A : memref<!tpu.dma_semaphore, #tpu.memory_space<semaphore_mem>>)
        %dma_wait3A = arith.constant 0 : i32
        %dma_wait3A_130 = tpu.memref_slice %arg3[%mul3A_126, %dma_wait3A] : memref<20000x324xf32, #tpu.memory_space<hbm>> -> memref<200x324xf32, #tpu.memory_space<hbm>>
        %dma_wait3A_131 = arith.constant 0 : i32
        %dma_wait3A_132 = tpu.memref_slice %arg3[%mul3A_126, %dma_wait3A_131] : memref<20000x324xf32, #tpu.memory_space<hbm>> -> memref<200x324xf32, #tpu.memory_space<hbm>>
        tpu.wait_dma2 semaphore(%run_scoped3A : memref<!tpu.dma_semaphore, #tpu.memory_space<semaphore_mem>>) src(%arg4 : memref<200x324xf32, #tpu.memory_space<vmem>>) dst(%dma_wait3A_132 : memref<200x324xf32, #tpu.memory_space<hbm>>)
        tpu.yield
      }) : () -> ()
    } else {
    }
    %add3A_18 = arith.constant 16 : i32
    %add3A_19 = arith.addi %arg1, %add3A_18 : i32
    %lt3A_20 = arith.constant 100 : i32
    %lt3A_21 = arith.cmpi slt, %add3A_19, %lt3A_20 : i32
    %eq3A_22 = arith.constant 0 : i32
    %eq3A_23 = arith.cmpi eq, %arg0, %eq3A_22 : i32
    %and3A_24 = arith.andi %lt3A_21, %eq3A_23 : i1
    %convert_element_type3A_25 = arith.extui %and3A_24 : i1 to i32
    %cond3A_26 = arith.constant 0 : i32
    %cond3A_27 = arith.cmpi ne, %convert_element_type3A_25, %cond3A_26 : i32
    scf.if %cond3A_27 {
      %mul3A = arith.constant 200 : i32
      %mul3A_126 = arith.muli %add3A_19, %mul3A : i32
      "tpu.region"() ({
        %run_scoped3A = tpu.sem_alloc : memref<!tpu.dma_semaphore, #tpu.memory_space<semaphore_mem>>
        %dma_start3A = arith.constant 0 : i32
        %dma_start3A_127 = tpu.memref_slice %arg2[%mul3A_126, %dma_start3A] : memref<20000x324xf32, #tpu.memory_space<hbm>> -> memref<200x324xf32, #tpu.memory_space<hbm>>
        %dma_start3A_128 = arith.constant 0 : i32
        %dma_start3A_129 = tpu.memref_slice %arg2[%mul3A_126, %dma_start3A_128] : memref<20000x324xf32, #tpu.memory_space<hbm>> -> memref<200x324xf32, #tpu.memory_space<hbm>>
        tpu.enqueue_dma source(%arg4 : memref<200x324xf32, #tpu.memory_space<vmem>>) target(%dma_start3A_129 : memref<200x324xf32, #tpu.memory_space<hbm>>) target_semaphore(%run_scoped3A : memref<!tpu.dma_semaphore, #tpu.memory_space<semaphore_mem>>)
        %dma_wait3A = arith.constant 0 : i32
        %dma_wait3A_130 = tpu.memref_slice %arg2[%mul3A_126, %dma_wait3A] : memref<20000x324xf32, #tpu.memory_space<hbm>> -> memref<200x324xf32, #tpu.memory_space<hbm>>
        %dma_wait3A_131 = arith.constant 0 : i32
        %dma_wait3A_132 = tpu.memref_slice %arg2[%mul3A_126, %dma_wait3A_131] : memref<20000x324xf32, #tpu.memory_space<hbm>> -> memref<200x324xf32, #tpu.memory_space<hbm>>
        tpu.wait_dma2 semaphore(%run_scoped3A : memref<!tpu.dma_semaphore, #tpu.memory_space<semaphore_mem>>) src(%arg4 : memref<200x324xf32, #tpu.memory_space<vmem>>) dst(%dma_wait3A_132 : memref<200x324xf32, #tpu.memory_space<hbm>>)
        tpu.yield
      }) : () -> ()
    } else {
    }
    %lt3A_28 = arith.constant 100 : i32
    %lt3A_29 = arith.cmpi slt, %add3A_19, %lt3A_28 : i32
    %eq3A_30 = arith.constant 1 : i32
    %eq3A_31 = arith.cmpi eq, %arg0, %eq3A_30 : i32
    %and3A_32 = arith.andi %lt3A_29, %eq3A_31 : i1
    %convert_element_type3A_33 = arith.extui %and3A_32 : i1 to i32
    %cond3A_34 = arith.constant 0 : i32
    %cond3A_35 = arith.cmpi ne, %convert_element_type3A_33, %cond3A_34 : i32
    scf.if %cond3A_35 {
      %mul3A = arith.constant 200 : i32
      %mul3A_126 = arith.muli %add3A_19, %mul3A : i32
      "tpu.region"() ({
        %run_scoped3A = tpu.sem_alloc : memref<!tpu.dma_semaphore, #tpu.memory_space<semaphore_mem>>
        %dma_start3A = arith.constant 0 : i32
        %dma_start3A_127 = tpu.memref_slice %arg3[%mul3A_126, %dma_start3A] : memref<20000x324xf32, #tpu.memory_space<hbm>> -> memref<200x324xf32, #tpu.memory_space<hbm>>
        %dma_start3A_128 = arith.constant 0 : i32
        %dma_start3A_129 = tpu.memref_slice %arg3[%mul3A_126, %dma_start3A_128] : memref<20000x324xf32, #tpu.memory_space<hbm>> -> memref<200x324xf32, #tpu.memory_space<hbm>>
        tpu.enqueue_dma source(%arg4 : memref<200x324xf32, #tpu.memory_space<vmem>>) target(%dma_start3A_129 : memref<200x324xf32, #tpu.memory_space<hbm>>) target_semaphore(%run_scoped3A : memref<!tpu.dma_semaphore, #tpu.memory_space<semaphore_mem>>)
        %dma_wait3A = arith.constant 0 : i32
        %dma_wait3A_130 = tpu.memref_slice %arg3[%mul3A_126, %dma_wait3A] : memref<20000x324xf32, #tpu.memory_space<hbm>> -> memref<200x324xf32, #tpu.memory_space<hbm>>
        %dma_wait3A_131 = arith.constant 0 : i32
        %dma_wait3A_132 = tpu.memref_slice %arg3[%mul3A_126, %dma_wait3A_131] : memref<20000x324xf32, #tpu.memory_space<hbm>> -> memref<200x324xf32, #tpu.memory_space<hbm>>
        tpu.wait_dma2 semaphore(%run_scoped3A : memref<!tpu.dma_semaphore, #tpu.memory_space<semaphore_mem>>) src(%arg4 : memref<200x324xf32, #tpu.memory_space<vmem>>) dst(%dma_wait3A_132 : memref<200x324xf32, #tpu.memory_space<hbm>>)
        tpu.yield
      }) : () -> ()
    } else {
    }
    %add3A_36 = arith.constant 32 : i32
    %add3A_37 = arith.addi %arg1, %add3A_36 : i32
    %lt3A_38 = arith.constant 100 : i32
    %lt3A_39 = arith.cmpi slt, %add3A_37, %lt3A_38 : i32
    %eq3A_40 = arith.constant 0 : i32
    %eq3A_41 = arith.cmpi eq, %arg0, %eq3A_40 : i32
    %and3A_42 = arith.andi %lt3A_39, %eq3A_41 : i1
    %convert_element_type3A_43 = arith.extui %and3A_42 : i1 to i32
    %cond3A_44 = arith.constant 0 : i32
    %cond3A_45 = arith.cmpi ne, %convert_element_type3A_43, %cond3A_44 : i32
    scf.if %cond3A_45 {
      %mul3A = arith.constant 200 : i32
      %mul3A_126 = arith.muli %add3A_37, %mul3A : i32
      "tpu.region"() ({
        %run_scoped3A = tpu.sem_alloc : memref<!tpu.dma_semaphore, #tpu.memory_space<semaphore_mem>>
        %dma_start3A = arith.constant 0 : i32
        %dma_start3A_127 = tpu.memref_slice %arg2[%mul3A_126, %dma_start3A] : memref<20000x324xf32, #tpu.memory_space<hbm>> -> memref<200x324xf32, #tpu.memory_space<hbm>>
        %dma_start3A_128 = arith.constant 0 : i32
        %dma_start3A_129 = tpu.memref_slice %arg2[%mul3A_126, %dma_start3A_128] : memref<20000x324xf32, #tpu.memory_space<hbm>> -> memref<200x324xf32, #tpu.memory_space<hbm>>
        tpu.enqueue_dma source(%arg4 : memref<200x324xf32, #tpu.memory_space<vmem>>) target(%dma_start3A_129 : memref<200x324xf32, #tpu.memory_space<hbm>>) target_semaphore(%run_scoped3A : memref<!tpu.dma_semaphore, #tpu.memory_space<semaphore_mem>>)
        %dma_wait3A = arith.constant 0 : i32
        %dma_wait3A_130 = tpu.memref_slice %arg2[%mul3A_126, %dma_wait3A] : memref<20000x324xf32, #tpu.memory_space<hbm>> -> memref<200x324xf32, #tpu.memory_space<hbm>>
        %dma_wait3A_131 = arith.constant 0 : i32
        %dma_wait3A_132 = tpu.memref_slice %arg2[%mul3A_126, %dma_wait3A_131] : memref<20000x324xf32, #tpu.memory_space<hbm>> -> memref<200x324xf32, #tpu.memory_space<hbm>>
        tpu.wait_dma2 semaphore(%run_scoped3A : memref<!tpu.dma_semaphore, #tpu.memory_space<semaphore_mem>>) src(%arg4 : memref<200x324xf32, #tpu.memory_space<vmem>>) dst(%dma_wait3A_132 : memref<200x324xf32, #tpu.memory_space<hbm>>)
        tpu.yield
      }) : () -> ()
    } else {
    }
    %lt3A_46 = arith.constant 100 : i32
    %lt3A_47 = arith.cmpi slt, %add3A_37, %lt3A_46 : i32
    %eq3A_48 = arith.constant 1 : i32
    %eq3A_49 = arith.cmpi eq, %arg0, %eq3A_48 : i32
    %and3A_50 = arith.andi %lt3A_47, %eq3A_49 : i1
    %convert_element_type3A_51 = arith.extui %and3A_50 : i1 to i32
    %cond3A_52 = arith.constant 0 : i32
    %cond3A_53 = arith.cmpi ne, %convert_element_type3A_51, %cond3A_52 : i32
    scf.if %cond3A_53 {
      %mul3A = arith.constant 200 : i32
      %mul3A_126 = arith.muli %add3A_37, %mul3A : i32
      "tpu.region"() ({
        %run_scoped3A = tpu.sem_alloc : memref<!tpu.dma_semaphore, #tpu.memory_space<semaphore_mem>>
        %dma_start3A = arith.constant 0 : i32
        %dma_start3A_127 = tpu.memref_slice %arg3[%mul3A_126, %dma_start3A] : memref<20000x324xf32, #tpu.memory_space<hbm>> -> memref<200x324xf32, #tpu.memory_space<hbm>>
        %dma_start3A_128 = arith.constant 0 : i32
        %dma_start3A_129 = tpu.memref_slice %arg3[%mul3A_126, %dma_start3A_128] : memref<20000x324xf32, #tpu.memory_space<hbm>> -> memref<200x324xf32, #tpu.memory_space<hbm>>
        tpu.enqueue_dma source(%arg4 : memref<200x324xf32, #tpu.memory_space<vmem>>) target(%dma_start3A_129 : memref<200x324xf32, #tpu.memory_space<hbm>>) target_semaphore(%run_scoped3A : memref<!tpu.dma_semaphore, #tpu.memory_space<semaphore_mem>>)
        %dma_wait3A = arith.constant 0 : i32
        %dma_wait3A_130 = tpu.memref_slice %arg3[%mul3A_126, %dma_wait3A] : memref<20000x324xf32, #tpu.memory_space<hbm>> -> memref<200x324xf32, #tpu.memory_space<hbm>>
        %dma_wait3A_131 = arith.constant 0 : i32
        %dma_wait3A_132 = tpu.memref_slice %arg3[%mul3A_126, %dma_wait3A_131] : memref<20000x324xf32, #tpu.memory_space<hbm>> -> memref<200x324xf32, #tpu.memory_space<hbm>>
        tpu.wait_dma2 semaphore(%run_scoped3A : memref<!tpu.dma_semaphore, #tpu.memory_space<semaphore_mem>>) src(%arg4 : memref<200x324xf32, #tpu.memory_space<vmem>>) dst(%dma_wait3A_132 : memref<200x324xf32, #tpu.memory_space<hbm>>)
        tpu.yield
      }) : () -> ()
    } else {
    }
    %add3A_54 = arith.constant 48 : i32
    %add3A_55 = arith.addi %arg1, %add3A_54 : i32
    %lt3A_56 = arith.constant 100 : i32
    %lt3A_57 = arith.cmpi slt, %add3A_55, %lt3A_56 : i32
    %eq3A_58 = arith.constant 0 : i32
    %eq3A_59 = arith.cmpi eq, %arg0, %eq3A_58 : i32
    %and3A_60 = arith.andi %lt3A_57, %eq3A_59 : i1
    %convert_element_type3A_61 = arith.extui %and3A_60 : i1 to i32
    %cond3A_62 = arith.constant 0 : i32
    %cond3A_63 = arith.cmpi ne, %convert_element_type3A_61, %cond3A_62 : i32
    scf.if %cond3A_63 {
      %mul3A = arith.constant 200 : i32
      %mul3A_126 = arith.muli %add3A_55, %mul3A : i32
      "tpu.region"() ({
        %run_scoped3A = tpu.sem_alloc : memref<!tpu.dma_semaphore, #tpu.memory_space<semaphore_mem>>
        %dma_start3A = arith.constant 0 : i32
        %dma_start3A_127 = tpu.memref_slice %arg2[%mul3A_126, %dma_start3A] : memref<20000x324xf32, #tpu.memory_space<hbm>> -> memref<200x324xf32, #tpu.memory_space<hbm>>
        %dma_start3A_128 = arith.constant 0 : i32
        %dma_start3A_129 = tpu.memref_slice %arg2[%mul3A_126, %dma_start3A_128] : memref<20000x324xf32, #tpu.memory_space<hbm>> -> memref<200x324xf32, #tpu.memory_space<hbm>>
        tpu.enqueue_dma source(%arg4 : memref<200x324xf32, #tpu.memory_space<vmem>>) target(%dma_start3A_129 : memref<200x324xf32, #tpu.memory_space<hbm>>) target_semaphore(%run_scoped3A : memref<!tpu.dma_semaphore, #tpu.memory_space<semaphore_mem>>)
        %dma_wait3A = arith.constant 0 : i32
        %dma_wait3A_130 = tpu.memref_slice %arg2[%mul3A_126, %dma_wait3A] : memref<20000x324xf32, #tpu.memory_space<hbm>> -> memref<200x324xf32, #tpu.memory_space<hbm>>
        %dma_wait3A_131 = arith.constant 0 : i32
        %dma_wait3A_132 = tpu.memref_slice %arg2[%mul3A_126, %dma_wait3A_131] : memref<20000x324xf32, #tpu.memory_space<hbm>> -> memref<200x324xf32, #tpu.memory_space<hbm>>
        tpu.wait_dma2 semaphore(%run_scoped3A : memref<!tpu.dma_semaphore, #tpu.memory_space<semaphore_mem>>) src(%arg4 : memref<200x324xf32, #tpu.memory_space<vmem>>) dst(%dma_wait3A_132 : memref<200x324xf32, #tpu.memory_space<hbm>>)
        tpu.yield
      }) : () -> ()
    } else {
    }
    %lt3A_64 = arith.constant 100 : i32
    %lt3A_65 = arith.cmpi slt, %add3A_55, %lt3A_64 : i32
    %eq3A_66 = arith.constant 1 : i32
    %eq3A_67 = arith.cmpi eq, %arg0, %eq3A_66 : i32
    %and3A_68 = arith.andi %lt3A_65, %eq3A_67 : i1
    %convert_element_type3A_69 = arith.extui %and3A_68 : i1 to i32
    %cond3A_70 = arith.constant 0 : i32
    %cond3A_71 = arith.cmpi ne, %convert_element_type3A_69, %cond3A_70 : i32
    scf.if %cond3A_71 {
      %mul3A = arith.constant 200 : i32
      %mul3A_126 = arith.muli %add3A_55, %mul3A : i32
      "tpu.region"() ({
        %run_scoped3A = tpu.sem_alloc : memref<!tpu.dma_semaphore, #tpu.memory_space<semaphore_mem>>
        %dma_start3A = arith.constant 0 : i32
        %dma_start3A_127 = tpu.memref_slice %arg3[%mul3A_126, %dma_start3A] : memref<20000x324xf32, #tpu.memory_space<hbm>> -> memref<200x324xf32, #tpu.memory_space<hbm>>
        %dma_start3A_128 = arith.constant 0 : i32
        %dma_start3A_129 = tpu.memref_slice %arg3[%mul3A_126, %dma_start3A_128] : memref<20000x324xf32, #tpu.memory_space<hbm>> -> memref<200x324xf32, #tpu.memory_space<hbm>>
        tpu.enqueue_dma source(%arg4 : memref<200x324xf32, #tpu.memory_space<vmem>>) target(%dma_start3A_129 : memref<200x324xf32, #tpu.memory_space<hbm>>) target_semaphore(%run_scoped3A : memref<!tpu.dma_semaphore, #tpu.memory_space<semaphore_mem>>)
        %dma_wait3A = arith.constant 0 : i32
        %dma_wait3A_130 = tpu.memref_slice %arg3[%mul3A_126, %dma_wait3A] : memref<20000x324xf32, #tpu.memory_space<hbm>> -> memref<200x324xf32, #tpu.memory_space<hbm>>
        %dma_wait3A_131 = arith.constant 0 : i32
        %dma_wait3A_132 = tpu.memref_slice %arg3[%mul3A_126, %dma_wait3A_131] : memref<20000x324xf32, #tpu.memory_space<hbm>> -> memref<200x324xf32, #tpu.memory_space<hbm>>
        tpu.wait_dma2 semaphore(%run_scoped3A : memref<!tpu.dma_semaphore, #tpu.memory_space<semaphore_mem>>) src(%arg4 : memref<200x324xf32, #tpu.memory_space<vmem>>) dst(%dma_wait3A_132 : memref<200x324xf32, #tpu.memory_space<hbm>>)
        tpu.yield
      }) : () -> ()
    } else {
    }
    %add3A_72 = arith.constant 64 : i32
    %add3A_73 = arith.addi %arg1, %add3A_72 : i32
    %lt3A_74 = arith.constant 100 : i32
    %lt3A_75 = arith.cmpi slt, %add3A_73, %lt3A_74 : i32
    %eq3A_76 = arith.constant 0 : i32
    %eq3A_77 = arith.cmpi eq, %arg0, %eq3A_76 : i32
    %and3A_78 = arith.andi %lt3A_75, %eq3A_77 : i1
    %convert_element_type3A_79 = arith.extui %and3A_78 : i1 to i32
    %cond3A_80 = arith.constant 0 : i32
    %cond3A_81 = arith.cmpi ne, %convert_element_type3A_79, %cond3A_80 : i32
    scf.if %cond3A_81 {
      %mul3A = arith.constant 200 : i32
      %mul3A_126 = arith.muli %add3A_73, %mul3A : i32
      "tpu.region"() ({
        %run_scoped3A = tpu.sem_alloc : memref<!tpu.dma_semaphore, #tpu.memory_space<semaphore_mem>>
        %dma_start3A = arith.constant 0 : i32
        %dma_start3A_127 = tpu.memref_slice %arg2[%mul3A_126, %dma_start3A] : memref<20000x324xf32, #tpu.memory_space<hbm>> -> memref<200x324xf32, #tpu.memory_space<hbm>>
        %dma_start3A_128 = arith.constant 0 : i32
        %dma_start3A_129 = tpu.memref_slice %arg2[%mul3A_126, %dma_start3A_128] : memref<20000x324xf32, #tpu.memory_space<hbm>> -> memref<200x324xf32, #tpu.memory_space<hbm>>
        tpu.enqueue_dma source(%arg4 : memref<200x324xf32, #tpu.memory_space<vmem>>) target(%dma_start3A_129 : memref<200x324xf32, #tpu.memory_space<hbm>>) target_semaphore(%run_scoped3A : memref<!tpu.dma_semaphore, #tpu.memory_space<semaphore_mem>>)
        %dma_wait3A = arith.constant 0 : i32
        %dma_wait3A_130 = tpu.memref_slice %arg2[%mul3A_126, %dma_wait3A] : memref<20000x324xf32, #tpu.memory_space<hbm>> -> memref<200x324xf32, #tpu.memory_space<hbm>>
        %dma_wait3A_131 = arith.constant 0 : i32
        %dma_wait3A_132 = tpu.memref_slice %arg2[%mul3A_126, %dma_wait3A_131] : memref<20000x324xf32, #tpu.memory_space<hbm>> -> memref<200x324xf32, #tpu.memory_space<hbm>>
        tpu.wait_dma2 semaphore(%run_scoped3A : memref<!tpu.dma_semaphore, #tpu.memory_space<semaphore_mem>>) src(%arg4 : memref<200x324xf32, #tpu.memory_space<vmem>>) dst(%dma_wait3A_132 : memref<200x324xf32, #tpu.memory_space<hbm>>)
        tpu.yield
      }) : () -> ()
    } else {
    }
    %lt3A_82 = arith.constant 100 : i32
    %lt3A_83 = arith.cmpi slt, %add3A_73, %lt3A_82 : i32
    %eq3A_84 = arith.constant 1 : i32
    %eq3A_85 = arith.cmpi eq, %arg0, %eq3A_84 : i32
    %and3A_86 = arith.andi %lt3A_83, %eq3A_85 : i1
    %convert_element_type3A_87 = arith.extui %and3A_86 : i1 to i32
    %cond3A_88 = arith.constant 0 : i32
    %cond3A_89 = arith.cmpi ne, %convert_element_type3A_87, %cond3A_88 : i32
    scf.if %cond3A_89 {
      %mul3A = arith.constant 200 : i32
      %mul3A_126 = arith.muli %add3A_73, %mul3A : i32
      "tpu.region"() ({
        %run_scoped3A = tpu.sem_alloc : memref<!tpu.dma_semaphore, #tpu.memory_space<semaphore_mem>>
        %dma_start3A = arith.constant 0 : i32
        %dma_start3A_127 = tpu.memref_slice %arg3[%mul3A_126, %dma_start3A] : memref<20000x324xf32, #tpu.memory_space<hbm>> -> memref<200x324xf32, #tpu.memory_space<hbm>>
        %dma_start3A_128 = arith.constant 0 : i32
        %dma_start3A_129 = tpu.memref_slice %arg3[%mul3A_126, %dma_start3A_128] : memref<20000x324xf32, #tpu.memory_space<hbm>> -> memref<200x324xf32, #tpu.memory_space<hbm>>
        tpu.enqueue_dma source(%arg4 : memref<200x324xf32, #tpu.memory_space<vmem>>) target(%dma_start3A_129 : memref<200x324xf32, #tpu.memory_space<hbm>>) target_semaphore(%run_scoped3A : memref<!tpu.dma_semaphore, #tpu.memory_space<semaphore_mem>>)
        %dma_wait3A = arith.constant 0 : i32
        %dma_wait3A_130 = tpu.memref_slice %arg3[%mul3A_126, %dma_wait3A] : memref<20000x324xf32, #tpu.memory_space<hbm>> -> memref<200x324xf32, #tpu.memory_space<hbm>>
        %dma_wait3A_131 = arith.constant 0 : i32
        %dma_wait3A_132 = tpu.memref_slice %arg3[%mul3A_126, %dma_wait3A_131] : memref<20000x324xf32, #tpu.memory_space<hbm>> -> memref<200x324xf32, #tpu.memory_space<hbm>>
        tpu.wait_dma2 semaphore(%run_scoped3A : memref<!tpu.dma_semaphore, #tpu.memory_space<semaphore_mem>>) src(%arg4 : memref<200x324xf32, #tpu.memory_space<vmem>>) dst(%dma_wait3A_132 : memref<200x324xf32, #tpu.memory_space<hbm>>)
        tpu.yield
      }) : () -> ()
    } else {
    }
    %add3A_90 = arith.constant 80 : i32
    %add3A_91 = arith.addi %arg1, %add3A_90 : i32
    %lt3A_92 = arith.constant 100 : i32
    %lt3A_93 = arith.cmpi slt, %add3A_91, %lt3A_92 : i32
    %eq3A_94 = arith.constant 0 : i32
    %eq3A_95 = arith.cmpi eq, %arg0, %eq3A_94 : i32
    %and3A_96 = arith.andi %lt3A_93, %eq3A_95 : i1
    %convert_element_type3A_97 = arith.extui %and3A_96 : i1 to i32
    %cond3A_98 = arith.constant 0 : i32
    %cond3A_99 = arith.cmpi ne, %convert_element_type3A_97, %cond3A_98 : i32
    scf.if %cond3A_99 {
      %mul3A = arith.constant 200 : i32
      %mul3A_126 = arith.muli %add3A_91, %mul3A : i32
      "tpu.region"() ({
        %run_scoped3A = tpu.sem_alloc : memref<!tpu.dma_semaphore, #tpu.memory_space<semaphore_mem>>
        %dma_start3A = arith.constant 0 : i32
        %dma_start3A_127 = tpu.memref_slice %arg2[%mul3A_126, %dma_start3A] : memref<20000x324xf32, #tpu.memory_space<hbm>> -> memref<200x324xf32, #tpu.memory_space<hbm>>
        %dma_start3A_128 = arith.constant 0 : i32
        %dma_start3A_129 = tpu.memref_slice %arg2[%mul3A_126, %dma_start3A_128] : memref<20000x324xf32, #tpu.memory_space<hbm>> -> memref<200x324xf32, #tpu.memory_space<hbm>>
        tpu.enqueue_dma source(%arg4 : memref<200x324xf32, #tpu.memory_space<vmem>>) target(%dma_start3A_129 : memref<200x324xf32, #tpu.memory_space<hbm>>) target_semaphore(%run_scoped3A : memref<!tpu.dma_semaphore, #tpu.memory_space<semaphore_mem>>)
        %dma_wait3A = arith.constant 0 : i32
        %dma_wait3A_130 = tpu.memref_slice %arg2[%mul3A_126, %dma_wait3A] : memref<20000x324xf32, #tpu.memory_space<hbm>> -> memref<200x324xf32, #tpu.memory_space<hbm>>
        %dma_wait3A_131 = arith.constant 0 : i32
        %dma_wait3A_132 = tpu.memref_slice %arg2[%mul3A_126, %dma_wait3A_131] : memref<20000x324xf32, #tpu.memory_space<hbm>> -> memref<200x324xf32, #tpu.memory_space<hbm>>
        tpu.wait_dma2 semaphore(%run_scoped3A : memref<!tpu.dma_semaphore, #tpu.memory_space<semaphore_mem>>) src(%arg4 : memref<200x324xf32, #tpu.memory_space<vmem>>) dst(%dma_wait3A_132 : memref<200x324xf32, #tpu.memory_space<hbm>>)
        tpu.yield
      }) : () -> ()
    } else {
    }
    %lt3A_100 = arith.constant 100 : i32
    %lt3A_101 = arith.cmpi slt, %add3A_91, %lt3A_100 : i32
    %eq3A_102 = arith.constant 1 : i32
    %eq3A_103 = arith.cmpi eq, %arg0, %eq3A_102 : i32
    %and3A_104 = arith.andi %lt3A_101, %eq3A_103 : i1
    %convert_element_type3A_105 = arith.extui %and3A_104 : i1 to i32
    %cond3A_106 = arith.constant 0 : i32
    %cond3A_107 = arith.cmpi ne, %convert_element_type3A_105, %cond3A_106 : i32
    scf.if %cond3A_107 {
      %mul3A = arith.constant 200 : i32
      %mul3A_126 = arith.muli %add3A_91, %mul3A : i32
      "tpu.region"() ({
        %run_scoped3A = tpu.sem_alloc : memref<!tpu.dma_semaphore, #tpu.memory_space<semaphore_mem>>
        %dma_start3A = arith.constant 0 : i32
        %dma_start3A_127 = tpu.memref_slice %arg3[%mul3A_126, %dma_start3A] : memref<20000x324xf32, #tpu.memory_space<hbm>> -> memref<200x324xf32, #tpu.memory_space<hbm>>
        %dma_start3A_128 = arith.constant 0 : i32
        %dma_start3A_129 = tpu.memref_slice %arg3[%mul3A_126, %dma_start3A_128] : memref<20000x324xf32, #tpu.memory_space<hbm>> -> memref<200x324xf32, #tpu.memory_space<hbm>>
        tpu.enqueue_dma source(%arg4 : memref<200x324xf32, #tpu.memory_space<vmem>>) target(%dma_start3A_129 : memref<200x324xf32, #tpu.memory_space<hbm>>) target_semaphore(%run_scoped3A : memref<!tpu.dma_semaphore, #tpu.memory_space<semaphore_mem>>)
        %dma_wait3A = arith.constant 0 : i32
        %dma_wait3A_130 = tpu.memref_slice %arg3[%mul3A_126, %dma_wait3A] : memref<20000x324xf32, #tpu.memory_space<hbm>> -> memref<200x324xf32, #tpu.memory_space<hbm>>
        %dma_wait3A_131 = arith.constant 0 : i32
        %dma_wait3A_132 = tpu.memref_slice %arg3[%mul3A_126, %dma_wait3A_131] : memref<20000x324xf32, #tpu.memory_space<hbm>> -> memref<200x324xf32, #tpu.memory_space<hbm>>
        tpu.wait_dma2 semaphore(%run_scoped3A : memref<!tpu.dma_semaphore, #tpu.memory_space<semaphore_mem>>) src(%arg4 : memref<200x324xf32, #tpu.memory_space<vmem>>) dst(%dma_wait3A_132 : memref<200x324xf32, #tpu.memory_space<hbm>>)
        tpu.yield
      }) : () -> ()
    } else {
    }
    %add3A_108 = arith.constant 96 : i32
    %add3A_109 = arith.addi %arg1, %add3A_108 : i32
    %lt3A_110 = arith.constant 100 : i32
    %lt3A_111 = arith.cmpi slt, %add3A_109, %lt3A_110 : i32
    %eq3A_112 = arith.constant 0 : i32
    %eq3A_113 = arith.cmpi eq, %arg0, %eq3A_112 : i32
    %and3A_114 = arith.andi %lt3A_111, %eq3A_113 : i1
    %convert_element_type3A_115 = arith.extui %and3A_114 : i1 to i32
    %cond3A_116 = arith.constant 0 : i32
    %cond3A_117 = arith.cmpi ne, %convert_element_type3A_115, %cond3A_116 : i32
    scf.if %cond3A_117 {
      %mul3A = arith.constant 200 : i32
      %mul3A_126 = arith.muli %add3A_109, %mul3A : i32
      "tpu.region"() ({
        %run_scoped3A = tpu.sem_alloc : memref<!tpu.dma_semaphore, #tpu.memory_space<semaphore_mem>>
        %dma_start3A = arith.constant 0 : i32
        %dma_start3A_127 = tpu.memref_slice %arg2[%mul3A_126, %dma_start3A] : memref<20000x324xf32, #tpu.memory_space<hbm>> -> memref<200x324xf32, #tpu.memory_space<hbm>>
        %dma_start3A_128 = arith.constant 0 : i32
        %dma_start3A_129 = tpu.memref_slice %arg2[%mul3A_126, %dma_start3A_128] : memref<20000x324xf32, #tpu.memory_space<hbm>> -> memref<200x324xf32, #tpu.memory_space<hbm>>
        tpu.enqueue_dma source(%arg4 : memref<200x324xf32, #tpu.memory_space<vmem>>) target(%dma_start3A_129 : memref<200x324xf32, #tpu.memory_space<hbm>>) target_semaphore(%run_scoped3A : memref<!tpu.dma_semaphore, #tpu.memory_space<semaphore_mem>>)
        %dma_wait3A = arith.constant 0 : i32
        %dma_wait3A_130 = tpu.memref_slice %arg2[%mul3A_126, %dma_wait3A] : memref<20000x324xf32, #tpu.memory_space<hbm>> -> memref<200x324xf32, #tpu.memory_space<hbm>>
        %dma_wait3A_131 = arith.constant 0 : i32
        %dma_wait3A_132 = tpu.memref_slice %arg2[%mul3A_126, %dma_wait3A_131] : memref<20000x324xf32, #tpu.memory_space<hbm>> -> memref<200x324xf32, #tpu.memory_space<hbm>>
        tpu.wait_dma2 semaphore(%run_scoped3A : memref<!tpu.dma_semaphore, #tpu.memory_space<semaphore_mem>>) src(%arg4 : memref<200x324xf32, #tpu.memory_space<vmem>>) dst(%dma_wait3A_132 : memref<200x324xf32, #tpu.memory_space<hbm>>)
        tpu.yield
      }) : () -> ()
    } else {
    }
    %lt3A_118 = arith.constant 100 : i32
    %lt3A_119 = arith.cmpi slt, %add3A_109, %lt3A_118 : i32
    %eq3A_120 = arith.constant 1 : i32
    %eq3A_121 = arith.cmpi eq, %arg0, %eq3A_120 : i32
    %and3A_122 = arith.andi %lt3A_119, %eq3A_121 : i1
    %convert_element_type3A_123 = arith.extui %and3A_122 : i1 to i32
    %cond3A_124 = arith.constant 0 : i32
    %cond3A_125 = arith.cmpi ne, %convert_element_type3A_123, %cond3A_124 : i32
    scf.if %cond3A_125 {
      %mul3A = arith.constant 200 : i32
      %mul3A_126 = arith.muli %add3A_109, %mul3A : i32
      "tpu.region"() ({
        %run_scoped3A = tpu.sem_alloc : memref<!tpu.dma_semaphore, #tpu.memory_space<semaphore_mem>>
        %dma_start3A = arith.constant 0 : i32
        %dma_start3A_127 = tpu.memref_slice %arg3[%mul3A_126, %dma_start3A] : memref<20000x324xf32, #tpu.memory_space<hbm>> -> memref<200x324xf32, #tpu.memory_space<hbm>>
        %dma_start3A_128 = arith.constant 0 : i32
        %dma_start3A_129 = tpu.memref_slice %arg3[%mul3A_126, %dma_start3A_128] : memref<20000x324xf32, #tpu.memory_space<hbm>> -> memref<200x324xf32, #tpu.memory_space<hbm>>
        tpu.enqueue_dma source(%arg4 : memref<200x324xf32, #tpu.memory_space<vmem>>) target(%dma_start3A_129 : memref<200x324xf32, #tpu.memory_space<hbm>>) target_semaphore(%run_scoped3A : memref<!tpu.dma_semaphore, #tpu.memory_space<semaphore_mem>>)
        %dma_wait3A = arith.constant 0 : i32
        %dma_wait3A_130 = tpu.memref_slice %arg3[%mul3A_126, %dma_wait3A] : memref<20000x324xf32, #tpu.memory_space<hbm>> -> memref<200x324xf32, #tpu.memory_space<hbm>>
        %dma_wait3A_131 = arith.constant 0 : i32
        %dma_wait3A_132 = tpu.memref_slice %arg3[%mul3A_126, %dma_wait3A_131] : memref<20000x324xf32, #tpu.memory_space<hbm>> -> memref<200x324xf32, #tpu.memory_space<hbm>>
        tpu.wait_dma2 semaphore(%run_scoped3A : memref<!tpu.dma_semaphore, #tpu.memory_space<semaphore_mem>>) src(%arg4 : memref<200x324xf32, #tpu.memory_space<vmem>>) dst(%dma_wait3A_132 : memref<200x324xf32, #tpu.memory_space<hbm>>)
        tpu.yield
      }) : () -> ()
    } else {
    }
    return
  }
}

module attributes {stable_mosaic.version = 14 : i64} {
  func.func @_loss_kernel(%arg0: i32, %arg1: memref<1000x81xf32, #tpu.memory_space<vmem>>, %arg2: memref<1000x1xi32, #tpu.memory_space<vmem>>, %arg3: memref<1000x324xf32, #tpu.memory_space<vmem>>, %arg4: memref<1000x324xf32, #tpu.memory_space<vmem>>, %arg5: memref<1000x324xf32, #tpu.memory_space<vmem>>, %arg6: memref<1000x324xf32, #tpu.memory_space<vmem>>, %arg7: memref<1000x1xf32, #tpu.memory_space<vmem>>) attributes {dimension_semantics = [#tpu.dimension_semantics<arbitrary>], iteration_bounds = array<i64: 20>, scalar_prefetch = 0 : i64, scratch_operands = 0 : i64, tpu.core_type = #tpu.core_type<tc>, window_params = [{transform_indices = @transform_0, window_bounds = array<i64: 1000, 81>}, {transform_indices = @transform_1, window_bounds = array<i64: 1000, 1>}, {transform_indices = @transform_2, window_bounds = array<i64: 1000, 324>}, {transform_indices = @transform_3, window_bounds = array<i64: 1000, 324>}, {transform_indices = @transform_4, window_bounds = array<i64: 1000, 324>}, {transform_indices = @transform_5, window_bounds = array<i64: 1000, 324>}, {transform_indices = @transform_6, window_bounds = array<i64: 1000, 1>}]} {
    %get3A = arith.constant 0 : index
    %get3A_0 = arith.constant 0 : index
    %get3A_1 = vector.load %arg1[%get3A, %get3A_0] : memref<1000x81xf32, #tpu.memory_space<vmem>>, vector<1000x81xf32>
    %get3A_2 = arith.constant 0 : index
    %get3A_3 = arith.constant 0 : index
    %get3A_4 = vector.load %arg2[%get3A_2, %get3A_3] : memref<1000x1xi32, #tpu.memory_space<vmem>>, vector<1000x1xi32>
    %reduce_max3A = arith.constant dense<0xFF800000> : vector<1000xf32>
    %reduce_max3A_5 = vector.multi_reduction <maximumf>, %get3A_1, %reduce_max3A [1] : vector<1000x81xf32> to vector<1000xf32>
    %broadcast_in_dim3A = vector.shape_cast %reduce_max3A_5 : vector<1000xf32> to vector<1000x1xf32>
    %sub3A = vector.broadcast %broadcast_in_dim3A : vector<1000x1xf32> to vector<1000x81xf32>
    %sub3A_6 = arith.subf %get3A_1, %sub3A : vector<1000x81xf32>
    %exp3A = math.exp %sub3A_6 : vector<1000x81xf32>
    %reduce_sum3A = arith.constant dense<0.000000e+00> : vector<1000xf32>
    %reduce_sum3A_7 = vector.multi_reduction <add>, %exp3A, %reduce_sum3A [1] : vector<1000x81xf32> to vector<1000xf32>
    %broadcast_in_dim3A_8 = vector.shape_cast %reduce_sum3A_7 : vector<1000xf32> to vector<1000x1xf32>
    %iota3A = tpu.iota {dimensions = array<i32: 1>} : vector<1000x81xi32>
    %eq3A = vector.broadcast %get3A_4 : vector<1000x1xi32> to vector<1000x81xi32>
    %eq3A_9 = arith.cmpi eq, %iota3A, %eq3A : vector<1000x81xi32>
    %jit3A = arith.constant 0.000000e+00 : f32
    %broadcast_in_dim3A_10 = vector.broadcast %jit3A : f32 to vector<1000x81xf32>
    %select_n3A = arith.select %eq3A_9, %get3A_1, %broadcast_in_dim3A_10 : vector<1000x81xi1>, vector<1000x81xf32>
    %reduce_sum3A_11 = arith.constant dense<0.000000e+00> : vector<1000xf32>
    %reduce_sum3A_12 = vector.multi_reduction <add>, %select_n3A, %reduce_sum3A_11 [1] : vector<1000x81xf32> to vector<1000xf32>
    %broadcast_in_dim3A_13 = vector.shape_cast %reduce_sum3A_12 : vector<1000xf32> to vector<1000x1xf32>
    %log3A = math.log %broadcast_in_dim3A_8 : vector<1000x1xf32>
    %add3A = arith.addf %log3A, %broadcast_in_dim3A : vector<1000x1xf32>
    %sub3A_14 = arith.subf %add3A, %broadcast_in_dim3A_13 : vector<1000x1xf32>
    %get3A_15 = arith.constant 0 : index
    %get3A_16 = arith.constant 0 : index
    %get3A_17 = vector.load %arg5[%get3A_15, %get3A_16] : memref<1000x324xf32, #tpu.memory_space<vmem>>, vector<1000x324xf32>
    %get3A_18 = arith.constant 0 : index
    %get3A_19 = arith.constant 0 : index
    %get3A_20 = vector.load %arg3[%get3A_18, %get3A_19] : memref<1000x324xf32, #tpu.memory_space<vmem>>, vector<1000x324xf32>
    %get3A_21 = arith.constant 0 : index
    %get3A_22 = arith.constant 0 : index
    %get3A_23 = vector.load %arg4[%get3A_21, %get3A_22] : memref<1000x324xf32, #tpu.memory_space<vmem>>, vector<1000x324xf32>
    %sub3A_24 = arith.subf %get3A_20, %get3A_23 : vector<1000x324xf32>
    %mul3A = arith.mulf %get3A_17, %sub3A_24 : vector<1000x324xf32>
    %abs3A = math.absf %mul3A : vector<1000x324xf32>
    %lt3A = arith.constant 1.000000e+00 : f32
    %lt3A_25 = vector.broadcast %lt3A : f32 to vector<1000x324xf32>
    %lt3A_26 = arith.cmpf olt, %abs3A, %lt3A_25 : vector<1000x324xf32>
    %convert_element_type3A = arith.extui %lt3A_26 : vector<1000x324xi1> to vector<1000x324xi32>
    %convert_element_type3A_27 = arith.sitofp %convert_element_type3A : vector<1000x324xi32> to vector<1000x324xf32>
    %mul3A_28 = arith.constant 5.000000e-01 : f32
    %mul3A_29 = vector.broadcast %mul3A_28 : f32 to vector<1000x324xf32>
    %mul3A_30 = arith.mulf %convert_element_type3A_27, %mul3A_29 : vector<1000x324xf32>
    %mul3A_31 = arith.mulf %mul3A_30, %mul3A : vector<1000x324xf32>
    %mul3A_32 = arith.mulf %mul3A_31, %mul3A : vector<1000x324xf32>
    %sub3A_33 = arith.constant 1.000000e+00 : f32
    %sub3A_34 = vector.broadcast %sub3A_33 : f32 to vector<1000x324xf32>
    %sub3A_35 = arith.subf %sub3A_34, %convert_element_type3A_27 : vector<1000x324xf32>
    %sub3A_36 = arith.constant 5.000000e-01 : f32
    %sub3A_37 = vector.broadcast %sub3A_36 : f32 to vector<1000x324xf32>
    %sub3A_38 = arith.subf %abs3A, %sub3A_37 : vector<1000x324xf32>
    %mul3A_39 = arith.mulf %sub3A_35, %sub3A_38 : vector<1000x324xf32>
    %add3A_40 = arith.addf %mul3A_32, %mul3A_39 : vector<1000x324xf32>
    %get3A_41 = arith.constant 0 : index
    %get3A_42 = arith.constant 0 : index
    %get3A_43 = vector.load %arg6[%get3A_41, %get3A_42] : memref<1000x324xf32, #tpu.memory_space<vmem>>, vector<1000x324xf32>
    %mul3A_44 = arith.mulf %get3A_43, %add3A_40 : vector<1000x324xf32>
    %reduce_sum3A_45 = arith.constant dense<0.000000e+00> : vector<1000xf32>
    %reduce_sum3A_46 = vector.multi_reduction <add>, %mul3A_44, %reduce_sum3A_45 [1] : vector<1000x324xf32> to vector<1000xf32>
    %broadcast_in_dim3A_47 = vector.shape_cast %reduce_sum3A_46 : vector<1000xf32> to vector<1000x1xf32>
    %add3A_48 = arith.addf %sub3A_14, %broadcast_in_dim3A_47 : vector<1000x1xf32>
    %swap3A = arith.constant 0 : index
    %swap3A_49 = arith.constant 0 : index
    %swap3A_50 = vector.load %arg7[%swap3A, %swap3A_49] : memref<1000x1xf32, #tpu.memory_space<vmem>>, vector<1000x1xf32>
    tpu.vector_store %arg7[%swap3A, %swap3A_49], %add3A_48 {strides = array<i32>} : memref<1000x1xf32, #tpu.memory_space<vmem>>, vector<1000x1xf32>,
    return
  }
  func.func @transform_0(%arg0: i32) -> (i32, i32) {
    %c0_i32 = arith.constant 0 : i32
    %c0_i32_0 = arith.constant 0 : i32
    return %arg0, %c0_i32 : i32, i32
  }
  func.func @transform_1(%arg0: i32) -> (i32, i32) {
    %c0_i32 = arith.constant 0 : i32
    %c0_i32_0 = arith.constant 0 : i32
    return %arg0, %c0_i32 : i32, i32
  }
  func.func @transform_2(%arg0: i32) -> (i32, i32) {
    %c0_i32 = arith.constant 0 : i32
    %c0_i32_0 = arith.constant 0 : i32
    return %arg0, %c0_i32 : i32, i32
  }
  func.func @transform_3(%arg0: i32) -> (i32, i32) {
    %c0_i32 = arith.constant 0 : i32
    %c0_i32_0 = arith.constant 0 : i32
    return %arg0, %c0_i32 : i32, i32
  }
  func.func @transform_4(%arg0: i32) -> (i32, i32) {
    %c0_i32 = arith.constant 0 : i32
    %c0_i32_0 = arith.constant 0 : i32
    return %arg0, %c0_i32 : i32, i32
  }
  func.func @transform_5(%arg0: i32) -> (i32, i32) {
    %c0_i32 = arith.constant 0 : i32
    %c0_i32_0 = arith.constant 0 : i32
    return %arg0, %c0_i32 : i32, i32
  }
  func.func @transform_6(%arg0: i32) -> (i32, i32) {
    %c0_i32 = arith.constant 0 : i32
    %c0_i32_0 = arith.constant 0 : i32
    return %arg0, %c0_i32 : i32, i32
  }
}

module attributes {stable_mosaic.version = 14 : i64} {
  func.func @_select_kernel(%arg0: memref<20x1000xf32, #tpu.memory_space<vmem>>, %arg1: memref<20x1000xi32, #tpu.memory_space<vmem>>, %arg2: memref<20x1000xi32, #tpu.memory_space<vmem>>, %arg3: memref<128x1xi32, #tpu.memory_space<vmem>>, %arg4: memref<128x1xi32, #tpu.memory_space<vmem>>) attributes {dimension_semantics = [], scalar_prefetch = 0 : i64, scratch_operands = 0 : i64, tpu.core_type = #tpu.core_type<tc>} {
    %get3A = arith.constant 0 : index
    %get3A_0 = arith.constant 0 : index
    %get3A_1 = vector.load %arg0[%get3A, %get3A_0] : memref<20x1000xf32, #tpu.memory_space<vmem>>, vector<20x1000xf32>
    %bitcast_convert_type3A = tpu.bitcast %get3A_1 : vector<20x1000xf32> -> vector<20x1000xi32>
    %ge3A = arith.constant 0 : i32
    %ge3A_2 = vector.broadcast %ge3A : i32 to vector<20x1000xi32>
    %ge3A_3 = arith.cmpi sge, %bitcast_convert_type3A, %ge3A_2 : vector<20x1000xi32>
    %xor3A = arith.constant 2147483647 : i32
    %xor3A_4 = vector.broadcast %xor3A : i32 to vector<20x1000xi32>
    %xor3A_5 = arith.xori %bitcast_convert_type3A, %xor3A_4 : vector<20x1000xi32>
    %select_n3A = arith.select %ge3A_3, %bitcast_convert_type3A, %xor3A_5 : vector<20x1000xi1>, vector<20x1000xi32>
    %ge3A_6 = arith.constant 0 : i32
    %ge3A_7 = vector.broadcast %ge3A_6 : i32 to vector<20x1000xi32>
    %ge3A_8 = arith.cmpi sge, %select_n3A, %ge3A_7 : vector<20x1000xi32>
    %convert_element_type3A = arith.extui %ge3A_8 : vector<20x1000xi1> to vector<20x1000xi32>
    %convert_element_type3A_9 = arith.sitofp %convert_element_type3A : vector<20x1000xi32> to vector<20x1000xf32>
    %reduce_sum3A = vector.shape_cast %convert_element_type3A_9 : vector<20x1000xf32> to vector<1x20x1000xf32>
    %reduce_sum3A_10 = arith.constant dense<0.000000e+00> : vector<1xf32>
    %reduce_sum3A_11 = vector.multi_reduction <add>, %reduce_sum3A, %reduce_sum3A_10 [1, 2] : vector<1x20x1000xf32> to vector<1xf32>
    %reduce_sum3A_12 = vector.shape_cast %reduce_sum3A_11 : vector<1xf32> to vector<1x1x1xf32>
    %reduce_sum3A_13 = vector.extract %reduce_sum3A_12[0, 0, 0] : f32 from vector<1x1x1xf32>
    %ge3A_14 = arith.constant 1.280000e+02 : f32
    %ge3A_15 = arith.cmpf oge, %reduce_sum3A_13, %ge3A_14 : f32
    %jit3A = arith.constant 0 : i32
    %jit3A_16 = arith.constant -2147483648 : i32
    %select_n3A_17 = arith.select %ge3A_15, %jit3A, %jit3A_16 : i32
    %scan3A = arith.constant 0 : i32
    %scan3A_18 = arith.constant 31 : i32
    %scan3A_19 = arith.addi %scan3A, %scan3A_18 : i32
    %scan3A_20 = arith.constant 1 : i32
    %scan3A_21 = scf.for %scan3A_229 = %scan3A to %scan3A_19 step %scan3A_20 iter_args(%scan3A_230 = %select_n3A_17) -> (i32)  : i32 {
      %sub3A_231 = arith.constant 30 : i32
      %sub3A_232 = arith.subi %sub3A_231, %scan3A_229 : i32
      %shift_left3A_233 = arith.constant 1 : i32
      %shift_left3A_234 = arith.shli %shift_left3A_233, %sub3A_232 : i32
      %or3A_235 = arith.ori %scan3A_230, %shift_left3A_234 : i32
      %ge3A_236 = vector.broadcast %or3A_235 : i32 to vector<20x1000xi32>
      %ge3A_237 = arith.cmpi sge, %select_n3A, %ge3A_236 : vector<20x1000xi32>
      %convert_element_type3A_238 = arith.extui %ge3A_237 : vector<20x1000xi1> to vector<20x1000xi32>
      %convert_element_type3A_239 = arith.sitofp %convert_element_type3A_238 : vector<20x1000xi32> to vector<20x1000xf32>
      %reduce_sum3A_240 = vector.shape_cast %convert_element_type3A_239 : vector<20x1000xf32> to vector<1x20x1000xf32>
      %reduce_sum3A_241 = arith.constant dense<0.000000e+00> : vector<1xf32>
      %reduce_sum3A_242 = vector.multi_reduction <add>, %reduce_sum3A_240, %reduce_sum3A_241 [1, 2] : vector<1x20x1000xf32> to vector<1xf32>
      %reduce_sum3A_243 = vector.shape_cast %reduce_sum3A_242 : vector<1xf32> to vector<1x1x1xf32>
      %reduce_sum3A_244 = vector.extract %reduce_sum3A_243[0, 0, 0] : f32 from vector<1x1x1xf32>
      %ge3A_245 = arith.constant 1.280000e+02 : f32
      %ge3A_246 = arith.cmpf oge, %reduce_sum3A_244, %ge3A_245 : f32
      %select_n3A_247 = arith.select %ge3A_246, %or3A_235, %scan3A_230 : i32
      scf.yield %select_n3A_247 : i32
    }
    %scan3A_22 = arith.constant 31 : i32
    %gt3A = vector.broadcast %scan3A_21 : i32 to vector<20x1000xi32>
    %gt3A_23 = arith.cmpi sgt, %select_n3A, %gt3A : vector<20x1000xi32>
    %eq3A = vector.broadcast %scan3A_21 : i32 to vector<20x1000xi32>
    %eq3A_24 = arith.cmpi eq, %select_n3A, %eq3A : vector<20x1000xi32>
    %convert_element_type3A_25 = arith.extui %gt3A_23 : vector<20x1000xi1> to vector<20x1000xi32>
    %convert_element_type3A_26 = arith.sitofp %convert_element_type3A_25 : vector<20x1000xi32> to vector<20x1000xf32>
    %reduce_sum3A_27 = vector.shape_cast %convert_element_type3A_26 : vector<20x1000xf32> to vector<1x20x1000xf32>
    %reduce_sum3A_28 = arith.constant dense<0.000000e+00> : vector<1xf32>
    %reduce_sum3A_29 = vector.multi_reduction <add>, %reduce_sum3A_27, %reduce_sum3A_28 [1, 2] : vector<1x20x1000xf32> to vector<1xf32>
    %reduce_sum3A_30 = vector.shape_cast %reduce_sum3A_29 : vector<1xf32> to vector<1x1x1xf32>
    %reduce_sum3A_31 = vector.extract %reduce_sum3A_30[0, 0, 0] : f32 from vector<1x1x1xf32>
    %sub3A = arith.constant 1.280000e+02 : f32
    %sub3A_32 = arith.subf %sub3A, %reduce_sum3A_31 : f32
    %convert_element_type3A_33 = arith.extui %eq3A_24 : vector<20x1000xi1> to vector<20x1000xi32>
    %convert_element_type3A_34 = arith.sitofp %convert_element_type3A_33 : vector<20x1000xi32> to vector<20x1000xf32>
    %iota3A = tpu.iota {dimensions = array<i32: 0>} : vector<1000x1000xi32>
    %iota3A_35 = tpu.iota {dimensions = array<i32: 1>} : vector<1000x1000xi32>
    %le3A = arith.cmpi sle, %iota3A, %iota3A_35 : vector<1000x1000xi32>
    %convert_element_type3A_36 = arith.extui %le3A : vector<1000x1000xi1> to vector<1000x1000xi32>
    %convert_element_type3A_37 = arith.sitofp %convert_element_type3A_36 : vector<1000x1000xi32> to vector<1000x1000xf32>
    %dot_general3A = arith.constant dense<0.000000e+00> : vector<20x1000xf32>
    %dot_general3A_38 = tpu.matmul %convert_element_type3A_34, %convert_element_type3A_37, %dot_general3A {dimension_numbers = #tpu.dot_dimension_numbers<[1], [0], [0], [1], [0, 0, 1, 1], [], []>, transpose_lhs_hint = false} : vector<20x1000xf32>, vector<1000x1000xf32>, vector<20x1000xf32> -> vector<20x1000xf32>
    %reduce_sum3A_39 = arith.constant dense<0.000000e+00> : vector<20xf32>
    %reduce_sum3A_40 = vector.multi_reduction <add>, %convert_element_type3A_34, %reduce_sum3A_39 [1] : vector<20x1000xf32> to vector<20xf32>
    %broadcast_in_dim3A = vector.shape_cast %reduce_sum3A_40 : vector<20xf32> to vector<20x1xf32>
    %iota3A_41 = tpu.iota {dimensions = array<i32: 1>} : vector<20x20xi32>
    %iota3A_42 = tpu.iota {dimensions = array<i32: 0>} : vector<20x20xi32>
    %lt3A = arith.cmpi slt, %iota3A_41, %iota3A_42 : vector<20x20xi32>
    %convert_element_type3A_43 = arith.extui %lt3A : vector<20x20xi1> to vector<20x20xi32>
    %convert_element_type3A_44 = arith.sitofp %convert_element_type3A_43 : vector<20x20xi32> to vector<20x20xf32>
    %dot_general3A_45 = arith.constant dense<0.000000e+00> : vector<20x1xf32>
    %dot_general3A_46 = tpu.matmul %convert_element_type3A_44, %broadcast_in_dim3A, %dot_general3A_45 {dimension_numbers = #tpu.dot_dimension_numbers<[1], [0], [0], [1], [0, 0, 1, 1], [], []>, transpose_lhs_hint = false} : vector<20x20xf32>, vector<20x1xf32>, vector<20x1xf32> -> vector<20x1xf32>
    %add3A = vector.broadcast %dot_general3A_46 : vector<20x1xf32> to vector<20x1000xf32>
    %add3A_47 = arith.addf %add3A, %dot_general3A_38 : vector<20x1000xf32>
    %sub3A_48 = arith.subf %add3A_47, %convert_element_type3A_34 : vector<20x1000xf32>
    %lt3A_49 = vector.broadcast %sub3A_32 : f32 to vector<20x1000xf32>
    %lt3A_50 = arith.cmpf olt, %sub3A_48, %lt3A_49 : vector<20x1000xf32>
    %and3A = arith.andi %eq3A_24, %lt3A_50 : vector<20x1000xi1>
    %or3A = arith.ori %gt3A_23, %and3A : vector<20x1000xi1>
    %jit3A_51 = arith.constant 1.000000e+00 : f32
    %jit3A_52 = arith.constant 0.000000e+00 : f32
    %broadcast_in_dim3A_53 = vector.broadcast %jit3A_51 : f32 to vector<20x1000xf32>
    %broadcast_in_dim3A_54 = vector.broadcast %jit3A_52 : f32 to vector<20x1000xf32>
    %select_n3A_55 = arith.select %or3A, %broadcast_in_dim3A_53, %broadcast_in_dim3A_54 : vector<20x1000xi1>, vector<20x1000xf32>
    %gt3A_56 = arith.constant 0.000000e+00 : f32
    %gt3A_57 = vector.broadcast %gt3A_56 : f32 to vector<20x1000xf32>
    %gt3A_58 = arith.cmpf ogt, %select_n3A_55, %gt3A_57 : vector<20x1000xf32>
    %get3A_59 = arith.constant 0 : index
    %get3A_60 = arith.constant 0 : index
    %get3A_61 = vector.load %arg1[%get3A_59, %get3A_60] : memref<20x1000xi32, #tpu.memory_space<vmem>>, vector<20x1000xi32>
    %jit3A_62 = arith.constant -1 : i32
    %broadcast_in_dim3A_63 = vector.broadcast %jit3A_62 : i32 to vector<20x1000xi32>
    %select_n3A_64 = arith.select %gt3A_58, %get3A_61, %broadcast_in_dim3A_63 : vector<20x1000xi1>, vector<20x1000xi32>
    %swap3A = arith.constant 0 : index
    %swap3A_65 = arith.constant 0 : index
    %swap3A_66 = vector.load %arg2[%swap3A, %swap3A_65] : memref<20x1000xi32, #tpu.memory_space<vmem>>, vector<20x1000xi32>
    tpu.vector_store %arg2[%swap3A, %swap3A_65], %select_n3A_64 {strides = array<i32>} : memref<20x1000xi32, #tpu.memory_space<vmem>>, vector<20x1000xi32>,
    %iota3A_67 = tpu.iota {dimensions = array<i32: 1>} : vector<20x1000xi32>
    %jit3A_68 = arith.constant 8 : i32
    %eq3A_69 = arith.constant 0 : i32
    %eq3A_70 = arith.cmpi eq, %jit3A_68, %eq3A_69 : i32
    %jit3A_71 = arith.constant 1 : i32
    %select_n3A_72 = arith.select %eq3A_70, %jit3A_71, %jit3A_68 : i32
    %rem3A = vector.broadcast %select_n3A_72 : i32 to vector<20x1000xi32>
    %rem3A_73 = arith.remsi %iota3A_67, %rem3A : vector<20x1000xi32>
    %ne3A = arith.constant 0 : i32
    %ne3A_74 = vector.broadcast %ne3A : i32 to vector<20x1000xi32>
    %ne3A_75 = arith.cmpi ne, %rem3A_73, %ne3A_74 : vector<20x1000xi32>
    %lt3A_76 = arith.constant 0 : i32
    %lt3A_77 = vector.broadcast %lt3A_76 : i32 to vector<20x1000xi32>
    %lt3A_78 = arith.cmpi slt, %rem3A_73, %lt3A_77 : vector<20x1000xi32>
    %lt3A_79 = arith.constant 0 : i32
    %lt3A_80 = arith.cmpi slt, %select_n3A_72, %lt3A_79 : i32
    %ne3A_81 = vector.broadcast %lt3A_80 : i1 to vector<20x1000xi1>
    %ne3A_82 = vector.broadcast %ne3A_81 : vector<20x1000xi1> to vector<20x1000xi1>
    %ne3A_83 = arith.xori %lt3A_78, %ne3A_82 : vector<20x1000xi1>
    %and3A_84 = arith.andi %ne3A_83, %ne3A_75 : vector<20x1000xi1>
    %add3A_85 = vector.broadcast %select_n3A_72 : i32 to vector<20x1000xi32>
    %add3A_86 = arith.addi %rem3A_73, %add3A_85 : vector<20x1000xi32>
    %select_n3A_87 = arith.select %and3A_84, %add3A_86, %rem3A_73 : vector<20x1000xi1>, vector<20x1000xi32>
    %shift_left3A = arith.constant 1 : i32
    %shift_left3A_88 = vector.broadcast %shift_left3A : i32 to vector<20x1000xi32>
    %shift_left3A_89 = arith.shli %shift_left3A_88, %select_n3A_87 : vector<20x1000xi32>
    %convert_element_type3A_90 = arith.sitofp %shift_left3A_89 : vector<20x1000xi32> to vector<20x1000xf32>
    %iota3A_91 = tpu.iota {dimensions = array<i32: 0>} : vector<1000x125xi32>
    %jit3A_92 = arith.constant 8 : i32
    %div3A = vector.broadcast %jit3A_92 : i32 to vector<1000x125xi32>
    %div3A_93 = arith.divsi %iota3A_91, %div3A : vector<1000x125xi32>
    %sign3A = arith.constant 0 : i32
    %sign3A_94 = vector.broadcast %sign3A : i32 to vector<1000x125xi32>
    %sign3A_95 = arith.cmpi sgt, %iota3A_91, %sign3A_94 : vector<1000x125xi32>
    %sign3A_96 = arith.extui %sign3A_95 : vector<1000x125xi1> to vector<1000x125xi32>
    %sign3A_97 = arith.constant 0 : i32
    %sign3A_98 = vector.broadcast %sign3A_97 : i32 to vector<1000x125xi32>
    %sign3A_99 = arith.cmpi slt, %iota3A_91, %sign3A_98 : vector<1000x125xi32>
    %sign3A_100 = arith.extui %sign3A_99 : vector<1000x125xi1> to vector<1000x125xi32>
    %sign3A_101 = arith.subi %sign3A_96, %sign3A_100 : vector<1000x125xi32>
    %sign3A_102 = arith.constant 0 : i32
    %sign3A_103 = arith.cmpi sgt, %jit3A_92, %sign3A_102 : i32
    %sign3A_104 = arith.extui %sign3A_103 : i1 to i32
    %sign3A_105 = arith.constant 0 : i32
    %sign3A_106 = arith.cmpi slt, %jit3A_92, %sign3A_105 : i32
    %sign3A_107 = arith.extui %sign3A_106 : i1 to i32
    %sign3A_108 = arith.subi %sign3A_104, %sign3A_107 : i32
    %ne3A_109 = vector.broadcast %sign3A_108 : i32 to vector<1000x125xi32>
    %ne3A_110 = arith.cmpi ne, %sign3A_101, %ne3A_109 : vector<1000x125xi32>
    %rem3A_111 = vector.broadcast %jit3A_92 : i32 to vector<1000x125xi32>
    %rem3A_112 = arith.remsi %iota3A_91, %rem3A_111 : vector<1000x125xi32>
    %ne3A_113 = arith.constant 0 : i32
    %ne3A_114 = vector.broadcast %ne3A_113 : i32 to vector<1000x125xi32>
    %ne3A_115 = arith.cmpi ne, %rem3A_112, %ne3A_114 : vector<1000x125xi32>
    %and3A_116 = arith.andi %ne3A_110, %ne3A_115 : vector<1000x125xi1>
    %sub3A_117 = arith.constant 1 : i32
    %sub3A_118 = vector.broadcast %sub3A_117 : i32 to vector<1000x125xi32>
    %sub3A_119 = arith.subi %div3A_93, %sub3A_118 : vector<1000x125xi32>
    %select_n3A_120 = arith.select %and3A_116, %sub3A_119, %div3A_93 : vector<1000x125xi1>, vector<1000x125xi32>
    %iota3A_121 = tpu.iota {dimensions = array<i32: 1>} : vector<1000x125xi32>
    %eq3A_122 = arith.cmpi eq, %select_n3A_120, %iota3A_121 : vector<1000x125xi32>
    %mul3A = arith.mulf %select_n3A_55, %convert_element_type3A_90 : vector<20x1000xf32>
    %convert_element_type3A_123 = arith.extui %eq3A_122 : vector<1000x125xi1> to vector<1000x125xi32>
    %convert_element_type3A_124 = arith.sitofp %convert_element_type3A_123 : vector<1000x125xi32> to vector<1000x125xf32>
    %dot_general3A_125 = arith.constant dense<0.000000e+00> : vector<20x125xf32>
    %dot_general3A_126 = tpu.matmul %mul3A, %convert_element_type3A_124, %dot_general3A_125 {dimension_numbers = #tpu.dot_dimension_numbers<[1], [0], [0], [1], [0, 0, 1, 1], [], []>, transpose_lhs_hint = false} : vector<20x1000xf32>, vector<1000x125xf32>, vector<20x125xf32> -> vector<20x125xf32>
    %gt3A_127 = arith.constant 0.000000e+00 : f32
    %gt3A_128 = vector.broadcast %gt3A_127 : f32 to vector<20x125xf32>
    %gt3A_129 = arith.cmpf ogt, %dot_general3A_126, %gt3A_128 : vector<20x125xf32>
    %convert_element_type3A_130 = arith.extui %gt3A_129 : vector<20x125xi1> to vector<20x125xi32>
    %convert_element_type3A_131 = arith.sitofp %convert_element_type3A_130 : vector<20x125xi32> to vector<20x125xf32>
    %iota3A_132 = tpu.iota {dimensions = array<i32: 0>} : vector<20x125xi32>
    %mul3A_133 = arith.constant 125 : i32
    %mul3A_134 = vector.broadcast %mul3A_133 : i32 to vector<20x125xi32>
    %mul3A_135 = arith.muli %iota3A_132, %mul3A_134 : vector<20x125xi32>
    %iota3A_136 = tpu.iota {dimensions = array<i32: 1>} : vector<20x125xi32>
    %add3A_137 = arith.addi %mul3A_135, %iota3A_136 : vector<20x125xi32>
    %convert_element_type3A_138 = arith.sitofp %add3A_137 : vector<20x125xi32> to vector<20x125xf32>
    %iota3A_139 = tpu.iota {dimensions = array<i32: 0>} : vector<125x125xi32>
    %iota3A_140 = tpu.iota {dimensions = array<i32: 1>} : vector<125x125xi32>
    %le3A_141 = arith.cmpi sle, %iota3A_139, %iota3A_140 : vector<125x125xi32>
    %convert_element_type3A_142 = arith.extui %le3A_141 : vector<125x125xi1> to vector<125x125xi32>
    %convert_element_type3A_143 = arith.sitofp %convert_element_type3A_142 : vector<125x125xi32> to vector<125x125xf32>
    %dot_general3A_144 = arith.constant dense<0.000000e+00> : vector<20x125xf32>
    %dot_general3A_145 = tpu.matmul %convert_element_type3A_131, %convert_element_type3A_143, %dot_general3A_144 {dimension_numbers = #tpu.dot_dimension_numbers<[1], [0], [0], [1], [0, 0, 1, 1], [], []>, transpose_lhs_hint = false} : vector<20x125xf32>, vector<125x125xf32>, vector<20x125xf32> -> vector<20x125xf32>
    %reduce_sum3A_146 = arith.constant dense<0.000000e+00> : vector<20xf32>
    %reduce_sum3A_147 = vector.multi_reduction <add>, %convert_element_type3A_131, %reduce_sum3A_146 [1] : vector<20x125xf32> to vector<20xf32>
    %broadcast_in_dim3A_148 = vector.shape_cast %reduce_sum3A_147 : vector<20xf32> to vector<20x1xf32>
    %dot_general3A_149 = arith.constant dense<0.000000e+00> : vector<20x1xf32>
    %dot_general3A_150 = tpu.matmul %convert_element_type3A_44, %broadcast_in_dim3A_148, %dot_general3A_149 {dimension_numbers = #tpu.dot_dimension_numbers<[1], [0], [0], [1], [0, 0, 1, 1], [], []>, transpose_lhs_hint = false} : vector<20x20xf32>, vector<20x1xf32>, vector<20x1xf32> -> vector<20x1xf32>
    %add3A_151 = vector.broadcast %dot_general3A_150 : vector<20x1xf32> to vector<20x125xf32>
    %add3A_152 = arith.addf %add3A_151, %dot_general3A_145 : vector<20x125xf32>
    %sub3A_153 = arith.subf %add3A_152, %convert_element_type3A_131 : vector<20x125xf32>
    %reduce_sum3A_154 = vector.shape_cast %convert_element_type3A_131 : vector<20x125xf32> to vector<1x20x125xf32>
    %reduce_sum3A_155 = arith.constant dense<0.000000e+00> : vector<1xf32>
    %reduce_sum3A_156 = vector.multi_reduction <add>, %reduce_sum3A_154, %reduce_sum3A_155 [1, 2] : vector<1x20x125xf32> to vector<1xf32>
    %reduce_sum3A_157 = vector.shape_cast %reduce_sum3A_156 : vector<1xf32> to vector<1x1x1xf32>
    %reduce_sum3A_158 = vector.extract %reduce_sum3A_157[0, 0, 0] : f32 from vector<1x1x1xf32>
    %iota3A_159 = tpu.iota {dimensions = array<i32: 2>} : vector<20x125x128xi32>
    %convert_element_type3A_160 = arith.sitofp %iota3A_159 : vector<20x125x128xi32> to vector<20x125x128xf32>
    %broadcast_in_dim3A_161 = vector.shape_cast %sub3A_153 : vector<20x125xf32> to vector<20x125x1xf32>
    %eq3A_162 = vector.broadcast %broadcast_in_dim3A_161 : vector<20x125x1xf32> to vector<20x125x128xf32>
    %eq3A_163 = arith.cmpf oeq, %eq3A_162, %convert_element_type3A_160 : vector<20x125x128xf32>
    %broadcast_in_dim3A_164 = vector.shape_cast %convert_element_type3A_131 : vector<20x125xf32> to vector<20x125x1xf32>
    %gt3A_165 = arith.constant 0.000000e+00 : f32
    %gt3A_166 = vector.broadcast %gt3A_165 : f32 to vector<20x125x1xf32>
    %gt3A_167 = arith.cmpf ogt, %broadcast_in_dim3A_164, %gt3A_166 : vector<20x125x1xf32>
    %and3A_168 = vector.broadcast %gt3A_167 : vector<20x125x1xi1> to vector<20x125x128xi1>
    %and3A_169 = arith.andi %eq3A_163, %and3A_168 : vector<20x125x128xi1>
    %jit3A_170 = arith.constant 1.000000e+00 : f32
    %jit3A_171 = arith.constant 0.000000e+00 : f32
    %broadcast_in_dim3A_172 = vector.broadcast %jit3A_170 : f32 to vector<20x125x128xf32>
    %broadcast_in_dim3A_173 = vector.broadcast %jit3A_171 : f32 to vector<20x125x128xf32>
    %select_n3A_174 = arith.select %and3A_169, %broadcast_in_dim3A_172, %broadcast_in_dim3A_173 : vector<20x125x128xi1>, vector<20x125x128xf32>
    %broadcast_in_dim3A_175 = vector.shape_cast %convert_element_type3A_138 : vector<20x125xf32> to vector<20x125x1xf32>
    %mul3A_176 = vector.broadcast %broadcast_in_dim3A_175 : vector<20x125x1xf32> to vector<20x125x128xf32>
    %mul3A_177 = arith.mulf %select_n3A_174, %mul3A_176 : vector<20x125x128xf32>
    %reduce_sum3A_178 = arith.constant dense<0.000000e+00> : vector<128xf32>
    %reduce_sum3A_179 = vector.multi_reduction <add>, %mul3A_177, %reduce_sum3A_178 [0, 1] : vector<20x125x128xf32> to vector<128xf32>
    %broadcast_in_dim3A_180 = vector.shape_cast %dot_general3A_126 : vector<20x125xf32> to vector<20x125x1xf32>
    %mul3A_181 = vector.broadcast %broadcast_in_dim3A_180 : vector<20x125x1xf32> to vector<20x125x128xf32>
    %mul3A_182 = arith.mulf %select_n3A_174, %mul3A_181 : vector<20x125x128xf32>
    %reduce_sum3A_183 = arith.constant dense<0.000000e+00> : vector<128xf32>
    %reduce_sum3A_184 = vector.multi_reduction <add>, %mul3A_182, %reduce_sum3A_183 [0, 1] : vector<20x125x128xf32> to vector<128xf32>
    %eq3A_185 = arith.constant 0.000000e+00 : f32
    %eq3A_186 = vector.broadcast %eq3A_185 : f32 to vector<20x125xf32>
    %eq3A_187 = arith.cmpf oeq, %sub3A_153, %eq3A_186 : vector<20x125xf32>
    %mul3A_188 = arith.mulf %convert_element_type3A_131, %convert_element_type3A_138 : vector<20x125xf32>
    %jit3A_189 = arith.constant 0.000000e+00 : f32
    %broadcast_in_dim3A_190 = vector.broadcast %jit3A_189 : f32 to vector<20x125xf32>
    %select_n3A_191 = arith.select %eq3A_187, %mul3A_188, %broadcast_in_dim3A_190 : vector<20x125xi1>, vector<20x125xf32>
    %reduce_sum3A_192 = vector.shape_cast %select_n3A_191 : vector<20x125xf32> to vector<1x20x125xf32>
    %reduce_sum3A_193 = arith.constant dense<0.000000e+00> : vector<1xf32>
    %reduce_sum3A_194 = vector.multi_reduction <add>, %reduce_sum3A_192, %reduce_sum3A_193 [1, 2] : vector<1x20x125xf32> to vector<1xf32>
    %reduce_sum3A_195 = vector.shape_cast %reduce_sum3A_194 : vector<1xf32> to vector<1x1x1xf32>
    %reduce_sum3A_196 = vector.extract %reduce_sum3A_195[0, 0, 0] : f32 from vector<1x1x1xf32>
    %eq3A_197 = arith.constant 0.000000e+00 : f32
    %eq3A_198 = vector.broadcast %eq3A_197 : f32 to vector<20x125xf32>
    %eq3A_199 = arith.cmpf oeq, %sub3A_153, %eq3A_198 : vector<20x125xf32>
    %mul3A_200 = arith.mulf %convert_element_type3A_131, %dot_general3A_126 : vector<20x125xf32>
    %jit3A_201 = arith.constant 0.000000e+00 : f32
    %broadcast_in_dim3A_202 = vector.broadcast %jit3A_201 : f32 to vector<20x125xf32>
    %select_n3A_203 = arith.select %eq3A_199, %mul3A_200, %broadcast_in_dim3A_202 : vector<20x125xi1>, vector<20x125xf32>
    %reduce_sum3A_204 = vector.shape_cast %select_n3A_203 : vector<20x125xf32> to vector<1x20x125xf32>
    %reduce_sum3A_205 = arith.constant dense<0.000000e+00> : vector<1xf32>
    %reduce_sum3A_206 = vector.multi_reduction <add>, %reduce_sum3A_204, %reduce_sum3A_205 [1, 2] : vector<1x20x125xf32> to vector<1xf32>
    %reduce_sum3A_207 = vector.shape_cast %reduce_sum3A_206 : vector<1xf32> to vector<1x1x1xf32>
    %reduce_sum3A_208 = vector.extract %reduce_sum3A_207[0, 0, 0] : f32 from vector<1x1x1xf32>
    %iota3A_209 = tpu.iota {dimensions = array<i32: 1>} : vector<1x128xi32>
    %iota3A_210 = vector.shape_cast %iota3A_209 : vector<1x128xi32> to vector<128xi32>
    %convert_element_type3A_211 = arith.sitofp %iota3A_210 : vector<128xi32> to vector<128xf32>
    %lt3A_212 = vector.broadcast %reduce_sum3A_158 : f32 to vector<128xf32>
    %lt3A_213 = arith.cmpf olt, %convert_element_type3A_211, %lt3A_212 : vector<128xf32>
    %broadcast_in_dim3A_214 = vector.broadcast %reduce_sum3A_196 : f32 to vector<128xf32>
    %select_n3A_215 = arith.select %lt3A_213, %reduce_sum3A_179, %broadcast_in_dim3A_214 : vector<128xi1>, vector<128xf32>
    %lt3A_216 = vector.broadcast %reduce_sum3A_158 : f32 to vector<128xf32>
    %lt3A_217 = arith.cmpf olt, %convert_element_type3A_211, %lt3A_216 : vector<128xf32>
    %broadcast_in_dim3A_218 = vector.broadcast %reduce_sum3A_208 : f32 to vector<128xf32>
    %select_n3A_219 = arith.select %lt3A_217, %reduce_sum3A_184, %broadcast_in_dim3A_218 : vector<128xi1>, vector<128xf32>
    %convert_element_type3A_220 = arith.fptosi %select_n3A_215 : vector<128xf32> to vector<128xi32>
    %reshape3A = vector.shape_cast %convert_element_type3A_220 : vector<128xi32> to vector<128x1xi32>
    %swap3A_221 = arith.constant 0 : index
    %swap3A_222 = arith.constant 0 : index
    %swap3A_223 = vector.load %arg3[%swap3A_221, %swap3A_222] : memref<128x1xi32, #tpu.memory_space<vmem>>, vector<128x1xi32>
    tpu.vector_store %arg3[%swap3A_221, %swap3A_222], %reshape3A {strides = array<i32>} : memref<128x1xi32, #tpu.memory_space<vmem>>, vector<128x1xi32>,
    %convert_element_type3A_224 = arith.fptosi %select_n3A_219 : vector<128xf32> to vector<128xi32>
    %reshape3A_225 = vector.shape_cast %convert_element_type3A_224 : vector<128xi32> to vector<128x1xi32>
    %swap3A_226 = arith.constant 0 : index
    %swap3A_227 = arith.constant 0 : index
    %swap3A_228 = vector.load %arg4[%swap3A_226, %swap3A_227] : memref<128x1xi32, #tpu.memory_space<vmem>>, vector<128x1xi32>
    tpu.vector_store %arg4[%swap3A_226, %swap3A_227], %reshape3A_225 {strides = array<i32>} : memref<128x1xi32, #tpu.memory_space<vmem>>, vector<128x1xi32>,
    return
  }
}

module attributes {stable_mosaic.version = 14 : i64} {
  func.func @_scatter_kernel(%arg0: i32, %arg1: memref<128xi32, #tpu.memory_space<smem>>, %arg2: memref<128x1xi32, #tpu.memory_space<vmem>>, %arg3: memref<20000x324xf32, #tpu.memory_space<any>>, %arg4: memref<20000x324xf32, #tpu.memory_space<any>>, %arg5: memref<20000x324xf32, #tpu.memory_space<any>>, %arg6: memref<20000x324xf32, #tpu.memory_space<any>>, %arg7: memref<20000x324xf32, #tpu.memory_space<any>>, %arg8: memref<20000x324xf32, #tpu.memory_space<any>>, %arg9: memref<128x8x324xf32, #tpu.memory_space<vmem>>, %arg10: memref<128x8x324xf32, #tpu.memory_space<vmem>>, %arg11: memref<!tpu.dma_semaphore, #tpu.memory_space<semaphore_mem>>, %arg12: memref<!tpu.dma_semaphore, #tpu.memory_space<semaphore_mem>>) attributes {dimension_semantics = [#tpu.dimension_semantics<arbitrary>], iteration_bounds = array<i64: 1>, scalar_prefetch = 1 : i64, scratch_operands = 4 : i64, tpu.core_type = #tpu.core_type<tc>, window_params = [{pipeline_mode = #tpu.pipeline_mode<synchronous>, transform_indices = @transform_0, window_bounds = array<i64: 128, 1>}, {}, {}, {}, {}, {}, {}]} {
    %scan3A = arith.constant 0 : i32
    %scan3A_0 = arith.constant 128 : i32
    %scan3A_1 = arith.addi %scan3A, %scan3A_0 : i32
    %scan3A_2 = arith.constant 1 : i32
    scf.for %scan3A_49 = %scan3A to %scan3A_1 step %scan3A_2  : i32 {
      %get3A_50 = arith.index_cast %scan3A_49 : i32 to index
      %get3A_51 = memref.load %arg1[%get3A_50] : memref<128xi32, #tpu.memory_space<smem>>
      %mul3A = arith.constant 8 : i32
      %mul3A_52 = arith.muli %get3A_51, %mul3A : i32
      %dma_start3A = arith.constant 0 : i32
      %dma_start3A_53 = arith.constant 0 : i32
      %dma_start3A_54 = tpu.memref_slice %arg9[%scan3A_49, %dma_start3A, %dma_start3A_53] : memref<128x8x324xf32, #tpu.memory_space<vmem>> -> memref<1x8x324xf32, #tpu.memory_space<vmem>>
      %dma_start3A_55 = tpu.memref_squeeze %dma_start3A_54 : memref<1x8x324xf32, #tpu.memory_space<vmem>> -> memref<8x324xf32, #tpu.memory_space<vmem>>
      %dma_start3A_56 = arith.constant 0 : i32
      %dma_start3A_57 = tpu.memref_slice %arg3[%mul3A_52, %dma_start3A_56] : memref<20000x324xf32, #tpu.memory_space<any>> -> memref<8x324xf32, #tpu.memory_space<any>>
      tpu.enqueue_dma source(%dma_start3A_57 : memref<8x324xf32, #tpu.memory_space<any>>) target(%dma_start3A_55 : memref<8x324xf32, #tpu.memory_space<vmem>>) target_semaphore(%arg11 : memref<!tpu.dma_semaphore, #tpu.memory_space<semaphore_mem>>)
      %mul3A_58 = arith.constant 8 : i32
      %mul3A_59 = arith.muli %get3A_51, %mul3A_58 : i32
      %dma_start3A_60 = arith.constant 0 : i32
      %dma_start3A_61 = arith.constant 0 : i32
      %dma_start3A_62 = tpu.memref_slice %arg10[%scan3A_49, %dma_start3A_60, %dma_start3A_61] : memref<128x8x324xf32, #tpu.memory_space<vmem>> -> memref<1x8x324xf32, #tpu.memory_space<vmem>>
      %dma_start3A_63 = tpu.memref_squeeze %dma_start3A_62 : memref<1x8x324xf32, #tpu.memory_space<vmem>> -> memref<8x324xf32, #tpu.memory_space<vmem>>
      %dma_start3A_64 = arith.constant 0 : i32
      %dma_start3A_65 = tpu.memref_slice %arg4[%mul3A_59, %dma_start3A_64] : memref<20000x324xf32, #tpu.memory_space<any>> -> memref<8x324xf32, #tpu.memory_space<any>>
      tpu.enqueue_dma source(%dma_start3A_65 : memref<8x324xf32, #tpu.memory_space<any>>) target(%dma_start3A_63 : memref<8x324xf32, #tpu.memory_space<vmem>>) target_semaphore(%arg11 : memref<!tpu.dma_semaphore, #tpu.memory_space<semaphore_mem>>)
    }
    %scan3A_3 = arith.constant 128 : i32
    %scan3A_4 = arith.constant 0 : i32
    %scan3A_5 = arith.constant 128 : i32
    %scan3A_6 = arith.addi %scan3A_4, %scan3A_5 : i32
    %scan3A_7 = arith.constant 1 : i32
    scf.for %scan3A_49 = %scan3A_4 to %scan3A_6 step %scan3A_7  : i32 {
      %get3A_50 = arith.index_cast %scan3A_49 : i32 to index
      %get3A_51 = memref.load %arg1[%get3A_50] : memref<128xi32, #tpu.memory_space<smem>>
      %mul3A = arith.constant 8 : i32
      %mul3A_52 = arith.muli %get3A_51, %mul3A : i32
      %dma_wait3A = arith.constant 0 : i32
      %dma_wait3A_53 = arith.constant 0 : i32
      %dma_wait3A_54 = tpu.memref_slice %arg9[%scan3A_49, %dma_wait3A, %dma_wait3A_53] : memref<128x8x324xf32, #tpu.memory_space<vmem>> -> memref<1x8x324xf32, #tpu.memory_space<vmem>>
      %dma_wait3A_55 = tpu.memref_squeeze %dma_wait3A_54 : memref<1x8x324xf32, #tpu.memory_space<vmem>> -> memref<8x324xf32, #tpu.memory_space<vmem>>
      %dma_wait3A_56 = arith.constant 0 : i32
      %dma_wait3A_57 = tpu.memref_slice %arg3[%mul3A_52, %dma_wait3A_56] : memref<20000x324xf32, #tpu.memory_space<any>> -> memref<8x324xf32, #tpu.memory_space<any>>
      tpu.wait_dma2 semaphore(%arg11 : memref<!tpu.dma_semaphore, #tpu.memory_space<semaphore_mem>>) src(%dma_wait3A_57 : memref<8x324xf32, #tpu.memory_space<any>>) dst(%dma_wait3A_55 : memref<8x324xf32, #tpu.memory_space<vmem>>)
      %mul3A_58 = arith.constant 8 : i32
      %mul3A_59 = arith.muli %get3A_51, %mul3A_58 : i32
      %dma_wait3A_60 = arith.constant 0 : i32
      %dma_wait3A_61 = arith.constant 0 : i32
      %dma_wait3A_62 = tpu.memref_slice %arg10[%scan3A_49, %dma_wait3A_60, %dma_wait3A_61] : memref<128x8x324xf32, #tpu.memory_space<vmem>> -> memref<1x8x324xf32, #tpu.memory_space<vmem>>
      %dma_wait3A_63 = tpu.memref_squeeze %dma_wait3A_62 : memref<1x8x324xf32, #tpu.memory_space<vmem>> -> memref<8x324xf32, #tpu.memory_space<vmem>>
      %dma_wait3A_64 = arith.constant 0 : i32
      %dma_wait3A_65 = tpu.memref_slice %arg4[%mul3A_59, %dma_wait3A_64] : memref<20000x324xf32, #tpu.memory_space<any>> -> memref<8x324xf32, #tpu.memory_space<any>>
      tpu.wait_dma2 semaphore(%arg11 : memref<!tpu.dma_semaphore, #tpu.memory_space<semaphore_mem>>) src(%dma_wait3A_65 : memref<8x324xf32, #tpu.memory_space<any>>) dst(%dma_wait3A_63 : memref<8x324xf32, #tpu.memory_space<vmem>>)
    }
    %scan3A_8 = arith.constant 128 : i32
    %get3A = arith.constant 0 : index
    %get3A_9 = arith.constant 0 : index
    %get3A_10 = vector.load %arg2[%get3A, %get3A_9] : memref<128x1xi32, #tpu.memory_space<vmem>>, vector<128x1xi32>
    %reshape3A = vector.shape_cast %get3A_10 : vector<128x1xi32> to vector<128x1x1xi32>
    %iota3A = tpu.iota {dimensions = array<i32: 1>} : vector<1x8x1xi32>
    %shift_right_logical3A = vector.broadcast %reshape3A : vector<128x1x1xi32> to vector<128x8x1xi32>
    %shift_right_logical3A_11 = vector.broadcast %iota3A : vector<1x8x1xi32> to vector<128x8x1xi32>
    %shift_right_logical3A_12 = arith.shrui %shift_right_logical3A, %shift_right_logical3A_11 : vector<128x8x1xi32>
    %and3A = arith.constant 1 : i32
    %and3A_13 = vector.broadcast %and3A : i32 to vector<128x8x1xi32>
    %and3A_14 = arith.andi %shift_right_logical3A_12, %and3A_13 : vector<128x8x1xi32>
    %gt3A = arith.constant 0 : i32
    %gt3A_15 = vector.broadcast %gt3A : i32 to vector<128x8x1xi32>
    %gt3A_16 = arith.cmpi sgt, %and3A_14, %gt3A_15 : vector<128x8x1xi32>
    %get3A_17 = arith.constant 0 : index
    %get3A_18 = arith.constant 0 : index
    %get3A_19 = arith.constant 0 : index
    %get3A_20 = vector.load %arg9[%get3A_17, %get3A_18, %get3A_19] : memref<128x8x324xf32, #tpu.memory_space<vmem>>, vector<128x8x324xf32>
    %jit3A = arith.constant 0.000000e+00 : f32
    %broadcast_in_dim3A = vector.shape_cast %gt3A_16 : vector<128x8x1xi1> to vector<128x8x1xi1>
    %broadcast_in_dim3A_21 = vector.broadcast %broadcast_in_dim3A : vector<128x8x1xi1> to vector<128x8x324xi1>
    %broadcast_in_dim3A_22 = vector.broadcast %jit3A : f32 to vector<128x8x324xf32>
    %select_n3A = arith.select %broadcast_in_dim3A_21, %get3A_20, %broadcast_in_dim3A_22 : vector<128x8x324xi1>, vector<128x8x324xf32>
    %swap3A = arith.constant 0 : index
    %swap3A_23 = arith.constant 0 : index
    %swap3A_24 = arith.constant 0 : index
    %swap3A_25 = vector.load %arg9[%swap3A, %swap3A_23, %swap3A_24] : memref<128x8x324xf32, #tpu.memory_space<vmem>>, vector<128x8x324xf32>
    tpu.vector_store %arg9[%swap3A, %swap3A_23, %swap3A_24], %select_n3A {strides = array<i32>} : memref<128x8x324xf32, #tpu.memory_space<vmem>>, vector<128x8x324xf32>,
    %get3A_26 = arith.constant 0 : index
    %get3A_27 = arith.constant 0 : index
    %get3A_28 = arith.constant 0 : index
    %get3A_29 = vector.load %arg10[%get3A_26, %get3A_27, %get3A_28] : memref<128x8x324xf32, #tpu.memory_space<vmem>>, vector<128x8x324xf32>
    %jit3A_30 = arith.constant 0.000000e+00 : f32
    %broadcast_in_dim3A_31 = vector.shape_cast %gt3A_16 : vector<128x8x1xi1> to vector<128x8x1xi1>
    %broadcast_in_dim3A_32 = vector.broadcast %broadcast_in_dim3A_31 : vector<128x8x1xi1> to vector<128x8x324xi1>
    %broadcast_in_dim3A_33 = vector.broadcast %jit3A_30 : f32 to vector<128x8x324xf32>
    %select_n3A_34 = arith.select %broadcast_in_dim3A_32, %get3A_29, %broadcast_in_dim3A_33 : vector<128x8x324xi1>, vector<128x8x324xf32>
    %swap3A_35 = arith.constant 0 : index
    %swap3A_36 = arith.constant 0 : index
    %swap3A_37 = arith.constant 0 : index
    %swap3A_38 = vector.load %arg10[%swap3A_35, %swap3A_36, %swap3A_37] : memref<128x8x324xf32, #tpu.memory_space<vmem>>, vector<128x8x324xf32>
    tpu.vector_store %arg10[%swap3A_35, %swap3A_36, %swap3A_37], %select_n3A_34 {strides = array<i32>} : memref<128x8x324xf32, #tpu.memory_space<vmem>>, vector<128x8x324xf32>,
    %scan3A_39 = arith.constant 0 : i32
    %scan3A_40 = arith.constant 128 : i32
    %scan3A_41 = arith.addi %scan3A_39, %scan3A_40 : i32
    %scan3A_42 = arith.constant 1 : i32
    scf.for %scan3A_49 = %scan3A_39 to %scan3A_41 step %scan3A_42  : i32 {
      %get3A_50 = arith.index_cast %scan3A_49 : i32 to index
      %get3A_51 = memref.load %arg1[%get3A_50] : memref<128xi32, #tpu.memory_space<smem>>
      %mul3A = arith.constant 8 : i32
      %mul3A_52 = arith.muli %get3A_51, %mul3A : i32
      %dma_start3A = arith.constant 0 : i32
      %dma_start3A_53 = tpu.memref_slice %arg7[%mul3A_52, %dma_start3A] : memref<20000x324xf32, #tpu.memory_space<any>> -> memref<8x324xf32, #tpu.memory_space<any>>
      %dma_start3A_54 = arith.constant 0 : i32
      %dma_start3A_55 = arith.constant 0 : i32
      %dma_start3A_56 = tpu.memref_slice %arg9[%scan3A_49, %dma_start3A_54, %dma_start3A_55] : memref<128x8x324xf32, #tpu.memory_space<vmem>> -> memref<1x8x324xf32, #tpu.memory_space<vmem>>
      %dma_start3A_57 = tpu.memref_squeeze %dma_start3A_56 : memref<1x8x324xf32, #tpu.memory_space<vmem>> -> memref<8x324xf32, #tpu.memory_space<vmem>>
      tpu.enqueue_dma source(%dma_start3A_57 : memref<8x324xf32, #tpu.memory_space<vmem>>) target(%dma_start3A_53 : memref<8x324xf32, #tpu.memory_space<any>>) target_semaphore(%arg12 : memref<!tpu.dma_semaphore, #tpu.memory_space<semaphore_mem>>)
      %mul3A_58 = arith.constant 8 : i32
      %mul3A_59 = arith.muli %get3A_51, %mul3A_58 : i32
      %dma_start3A_60 = arith.constant 0 : i32
      %dma_start3A_61 = tpu.memref_slice %arg8[%mul3A_59, %dma_start3A_60] : memref<20000x324xf32, #tpu.memory_space<any>> -> memref<8x324xf32, #tpu.memory_space<any>>
      %dma_start3A_62 = arith.constant 0 : i32
      %dma_start3A_63 = arith.constant 0 : i32
      %dma_start3A_64 = tpu.memref_slice %arg10[%scan3A_49, %dma_start3A_62, %dma_start3A_63] : memref<128x8x324xf32, #tpu.memory_space<vmem>> -> memref<1x8x324xf32, #tpu.memory_space<vmem>>
      %dma_start3A_65 = tpu.memref_squeeze %dma_start3A_64 : memref<1x8x324xf32, #tpu.memory_space<vmem>> -> memref<8x324xf32, #tpu.memory_space<vmem>>
      tpu.enqueue_dma source(%dma_start3A_65 : memref<8x324xf32, #tpu.memory_space<vmem>>) target(%dma_start3A_61 : memref<8x324xf32, #tpu.memory_space<any>>) target_semaphore(%arg12 : memref<!tpu.dma_semaphore, #tpu.memory_space<semaphore_mem>>)
    }
    %scan3A_43 = arith.constant 128 : i32
    %scan3A_44 = arith.constant 0 : i32
    %scan3A_45 = arith.constant 128 : i32
    %scan3A_46 = arith.addi %scan3A_44, %scan3A_45 : i32
    %scan3A_47 = arith.constant 1 : i32
    scf.for %scan3A_49 = %scan3A_44 to %scan3A_46 step %scan3A_47  : i32 {
      %get3A_50 = arith.index_cast %scan3A_49 : i32 to index
      %get3A_51 = memref.load %arg1[%get3A_50] : memref<128xi32, #tpu.memory_space<smem>>
      %mul3A = arith.constant 8 : i32
      %mul3A_52 = arith.muli %get3A_51, %mul3A : i32
      %dma_wait3A = arith.constant 0 : i32
      %dma_wait3A_53 = tpu.memref_slice %arg7[%mul3A_52, %dma_wait3A] : memref<20000x324xf32, #tpu.memory_space<any>> -> memref<8x324xf32, #tpu.memory_space<any>>
      %dma_wait3A_54 = arith.constant 0 : i32
      %dma_wait3A_55 = arith.constant 0 : i32
      %dma_wait3A_56 = tpu.memref_slice %arg9[%scan3A_49, %dma_wait3A_54, %dma_wait3A_55] : memref<128x8x324xf32, #tpu.memory_space<vmem>> -> memref<1x8x324xf32, #tpu.memory_space<vmem>>
      %dma_wait3A_57 = tpu.memref_squeeze %dma_wait3A_56 : memref<1x8x324xf32, #tpu.memory_space<vmem>> -> memref<8x324xf32, #tpu.memory_space<vmem>>
      tpu.wait_dma2 semaphore(%arg12 : memref<!tpu.dma_semaphore, #tpu.memory_space<semaphore_mem>>) src(%dma_wait3A_57 : memref<8x324xf32, #tpu.memory_space<vmem>>) dst(%dma_wait3A_53 : memref<8x324xf32, #tpu.memory_space<any>>)
      %mul3A_58 = arith.constant 8 : i32
      %mul3A_59 = arith.muli %get3A_51, %mul3A_58 : i32
      %dma_wait3A_60 = arith.constant 0 : i32
      %dma_wait3A_61 = tpu.memref_slice %arg8[%mul3A_59, %dma_wait3A_60] : memref<20000x324xf32, #tpu.memory_space<any>> -> memref<8x324xf32, #tpu.memory_space<any>>
      %dma_wait3A_62 = arith.constant 0 : i32
      %dma_wait3A_63 = arith.constant 0 : i32
      %dma_wait3A_64 = tpu.memref_slice %arg10[%scan3A_49, %dma_wait3A_62, %dma_wait3A_63] : memref<128x8x324xf32, #tpu.memory_space<vmem>> -> memref<1x8x324xf32, #tpu.memory_space<vmem>>
      %dma_wait3A_65 = tpu.memref_squeeze %dma_wait3A_64 : memref<1x8x324xf32, #tpu.memory_space<vmem>> -> memref<8x324xf32, #tpu.memory_space<vmem>>
      tpu.wait_dma2 semaphore(%arg12 : memref<!tpu.dma_semaphore, #tpu.memory_space<semaphore_mem>>) src(%dma_wait3A_65 : memref<8x324xf32, #tpu.memory_space<vmem>>) dst(%dma_wait3A_61 : memref<8x324xf32, #tpu.memory_space<any>>)
    }
    %scan3A_48 = arith.constant 128 : i32
    return
  }
  func.func @transform_0(%arg0: i32, %arg1: memref<128xi32, #tpu.memory_space<smem>>) -> (i32, i32) {
    %c0_i32 = arith.constant 0 : i32
    %c0_i32_0 = arith.constant 0 : i32
    %c0_i32_1 = arith.constant 0 : i32
    return %c0_i32, %c0_i32_0 : i32, i32
  }
}

</mosaic_0001>

<sc_bundles>
// kernel: kernel.6.cloned.1.call-start
scs
__scs_entry_jumppad:
0x0: {  	(pc) =	sbr.rel $0x88, $3  }
0x1: {  	(tag) =	ssettag $0x0;
	lr =	simm.s32 $0x1  }
0x2: {  	[smem:$0x3F9B] =	sst lr;
	_ =	strace $0xD0000000  }
0x3: {  	_ = 	snop  }
0x4: {  	_ = 	snop  }
0x5: {  	_ = 	snop  }
0x6: {  	_ = 	snop  }
0x7: {  	_ = 	snop  }
__scs_overlays_trampoline_lowered:
0x8: {  	[smem:$0x3FAA] =	sst s0  }
0x9: {  	[smem:$0x3FAB] =	sst s1  }
0xa: {  	[smem:$0x3FAC] =	sst s2  }
0xb: {  	[smem:$0x3FAD] =	sst s3  }
0xc: {  	[smem:$0x3FAE] =	sst s4  }
0xd: {  	[smem:$0x3FAF] =	sst s5  }
0xe: {  	[smem:$0x3FB0] =	sst s6  }
0xf: {  	[smem:$0x3FB1] =	sst s7  }
0x10: {  	[smem:$0x3FB2] =	sst s8  }
0x11: {  	[smem:$0x3FB3] =	sst s9;
	s0 =	simm.s32 @!p0 $0x0  }
0x12: {  	s1 =	sld [smem:$0x3F99];
	s0 =	simm.s32 @p0 $0x1  }
0x13: {  	[smem:$0x3FB4] =	sst s0;
	s0 =	simm.s32 @!p1 $0x0  }
0x14: {  	s2 =	sld [smem:$0x3F98];
	s0 =	simm.s32 @p1 $0x1  }
0x15: {  	[smem:$0x3FB5] =	sst s0;
	s0 =	simm.s32 @!p2 $0x0  }
0x16: {  	s3 =	sld [smem:$0x3FDB];
	s0 =	simm.s32 @p2 $0x1  }
0x17: {  	s4 =	simm.s32 $0x1BF5;
	[smem:$0x3FB7] =	sst s0  }
0x18: {  	s0 =	sld [smem:$0x3F9A];
	_ =	swait.ge [sflag:s4], $0x0  }
0x19: {  	s7 =	sld [smem:$0x3F9B]  }
0x1a: {  	s8 =	sadd.s32 $0xFFFFE003, lr  }
0x1b: {  	s9 =	sadd.s32 $0xFFFFFEF7, lr;
	s5 =	simm.s32 $0xFFFFFFFF;
	p2 =	slt.u32 s8, $0xFFFFF086  }
0x1c: {  	p1 =	slt.u32 s9, $0xF7A;
	s5 =	simm.s32 @!p2 $0x0  }
0x1d: {  	s5 =	simm.s32 @p1 $0x1;
	p0 =	seq.s32 s7, s2  }
0x1e: {  	s7 =	smul.u32 @!p0 $0xF7A, s2;
	p2 =	seq.s32 @!p0 s5, $0x0  }
0x1f: {  	s9 =	smul.u32 $0xF7A, s1;
	s8 =	simm.s32 @!p0 $0x1BF5;
	p2 =	por !p2, p0  }
0x20: {  	[sflag:s8] =	ssyncset.s32 @!p0 $0xFFFFF086;
	s6 =	sadd.s32 @!p0 s3, s7;
	s7 =	simm.s32 @!p0 $0x108  }
0x21: {  	s3 =	sadd.s32 s3, s9;
	s6 =	sadd.s32 @!p0 $0x88, s6;
	s7 =	simm.s32 @p2 $0x1082  }
0x22: {  	[simem:s7], [sflag:s8] =	dma.local @!p0 [hbm:s6], $0xF7A  }
0x23: {  	s9 =	sor.u32 $0xD0000000, s2;
	s6 =	simm.s32 $0x108;
	_ =	swait.ge @!p0 [sflag:s8], $0x0  }
0x24: {  	s3 =	sadd.s32 $0x88, s3;
	s6 =	simm.s32 @!p1 $0x1082;
	[sflag:s4] =	ssyncset.s32 $0xFFFFF086  }
0x25: {  	[simem:s6], [sflag:s4] =	dma.local [hbm:s3], $0xF7A  }
0x26: {  	[smem:$0x3F9B] =	sst s1;
	(tag) =	ssettag s2;
	_ =	strace s9  }
0x27: {  	s1 =	sld [smem:$0x3FAB]  }
0x28: {  	s2 =	sld [smem:$0x3FAC]  }
0x29: {  	s4 =	sld [smem:$0x3FAE]  }
0x2a: {  	p0 =	seq.s32 s5, $0x0;
	s5 =	sld [smem:$0x3FAF]  }
0x2b: {  	s6 =	sld [smem:$0x3FB0]  }
0x2c: {  	s7 =	sld [smem:$0x3FB1]  }
0x2d: {  	s3 =	simm.s32 $0x108;
	s8 =	sld [smem:$0x3FB2]  }
0x2e: {  	s3 =	simm.s32 @!p0 $0x1082;
	s9 =	sld [smem:$0x3FB3]  }
0x2f: {  	lr =	sadd.s32 s0, s3;
	s0 =	sld [smem:$0x3FAA]  }
0x30: {  	s3 =	sld [smem:$0x3FAD]  }
0x31: {  	[smem:$0x3FB6] =	sst s10  }
0x32: {  	s10 =	sld [smem:$0x3FB4];
	_ =	sdelay $0x3  }
0x33: {  	p0 =	seq.s32 s10, $0x1;
	s10 =	sld [smem:$0x3FB6];
	_ =	sdelay $0x3  }
0x34: {  	[smem:$0x3FB6] =	sst s10  }
0x35: {  	s10 =	sld [smem:$0x3FB5];
	_ =	sdelay $0x3  }
0x36: {  	p1 =	seq.s32 s10, $0x1;
	s10 =	sld [smem:$0x3FB6];
	_ =	sdelay $0x3  }
0x37: {  	[smem:$0x3FB6] =	sst s10  }
0x38: {  	s10 =	sld [smem:$0x3FB7]  }
0x39: {  	_ = 	snop;
	(pc) =	sbr.ind lr, $3  }
0x3a: {  	_ = 	snop  }
0x3b: {  	_ = 	snop  }
0x3c: {  	p2 =	seq.s32 s10, $0x1;
	s10 =	sld [smem:$0x3FB6]  }
0x3d: {  	_ =	shalt  }
0x3e: {  	_ =	shalt  }
0x3f: {  	_ =	shalt  }
0x40: {  	_ =	shalt  }
0x41: {  	_ =	shalt  }
0x42: {  	_ =	shalt  }
0x43: {  	_ =	shalt  }
0x44: {  	_ =	shalt  }
0x45: {  	_ =	shalt  }
0x46: {  	_ =	shalt  }
0x47: {  	_ =	shalt  }
0x48: {  	_ =	shalt  }
0x49: {  	_ =	shalt  }
0x4a: {  	_ =	shalt  }
0x4b: {  	_ =	shalt  }
0x4c: {  	_ =	shalt  }
0x4d: {  	_ =	shalt  }
0x4e: {  	_ =	shalt  }
0x4f: {  	_ =	shalt  }
0x50: {  	_ =	shalt  }
0x51: {  	_ =	shalt  }
0x52: {  	_ =	shalt  }
0x53: {  	_ =	shalt  }
0x54: {  	_ =	shalt  }
0x55: {  	_ =	shalt  }
0x56: {  	_ =	shalt  }
0x57: {  	_ =	shalt  }
0x58: {  	_ =	shalt  }
0x59: {  	_ =	shalt  }
0x5a: {  	_ =	shalt  }
0x5b: {  	_ =	shalt  }
0x5c: {  	_ =	shalt  }
0x5d: {  	_ =	shalt  }
0x5e: {  	_ =	shalt  }
0x5f: {  	_ =	shalt  }
0x60: {  	_ =	shalt  }
0x61: {  	_ =	shalt  }
0x62: {  	_ =	shalt  }
0x63: {  	_ =	shalt  }
0x64: {  	_ =	shalt  }
0x65: {  	_ =	shalt  }
0x66: {  	_ =	shalt  }
0x67: {  	_ =	shalt  }
0x68: {  	_ =	shalt  }
0x69: {  	_ =	shalt  }
0x6a: {  	_ =	shalt  }
0x6b: {  	_ =	shalt  }
0x6c: {  	_ =	shalt  }
0x6d: {  	_ =	shalt  }
0x6e: {  	_ =	shalt  }
0x6f: {  	_ =	shalt  }
0x70: {  	_ =	shalt  }
0x71: {  	_ =	shalt  }
0x72: {  	_ =	shalt  }
0x73: {  	_ =	shalt  }
0x74: {  	_ =	shalt  }
0x75: {  	_ =	shalt  }
0x76: {  	_ =	shalt  }
0x77: {  	_ =	shalt  }
0x78: {  	_ =	shalt  }
0x79: {  	_ =	shalt  }
0x7a: {  	_ =	shalt  }
0x7b: {  	_ =	shalt  }
0x7c: {  	_ =	shalt  }
0x7d: {  	_ =	shalt  }
0x7e: {  	_ =	shalt  }
0x7f: {  	_ =	shalt  }
0x80: {  	_ =	shalt  }
0x81: {  	_ =	shalt  }
0x82: {  	_ =	shalt  }
0x83: {  	_ =	shalt  }
0x84: {  	_ =	shalt  }
0x85: {  	_ =	shalt  }
0x86: {  	_ =	shalt  }
0x87: {  	_ =	shalt  }
.Lfunc_end0:
.L_simem_size_0:
called_computation_lowered:
.L_overlay_start_0:
0x88: {  	s2 =	sld [smem:$0x3FD9]  }
0x89: {  	s3 =	sld [smem:$0x3FFE];
	_ =	sdelay $0x1  }
0x8a: {  	s1 =	srdreg.scid  }
0x8b: {  	s0 =	sand.u32 $0x1, s1  }
0x8c: {  	s16 =	sshll.u32 s0, $0xA;
	s2 =	sadd.s32 s3, s2  }
0x8d: {  	s2 =	sadd.s32 s2, s16  }
0x8e: {  	[smem:$0x3FC2] =	sst s2  }
0x8f: {  	_ = 	snop  }
0x90: {  	(tm) =	ssettm $0x1  }
0x91: {  	s17 =	sld [smem:$0x3FFB];
	_ =	sdelay $0x3  }
0x92: {  	_ =	strace s17  }
0x93: {  	s2 =	sld [smem:$0x3FFC];
	_ =	sdelay $0x3  }
0x94: {  	_ =	strace s2  }
0x95: {  	s2 =	sld [smem:$0x3FFD];
	_ =	sdelay $0x3  }
0x96: {  	_ =	strace s2  }
0x97: {  	_ =	strace $0x8FFFFFFF  }
0x98: {  	s18 =	sld [smem:$0x3FDB];
	_ =	sdelay $0x1  }
0x99: {  	s19 =	simm.s32 $_scs_section_size  }
0x9a: {  	s4 =	simm.s32 $_size__tile_overlayer_lowered;
	s5 =	simm.s32 $_tile_overlayer_lowered  }
0x9b: {  	s22 =	simm.s32 $0x1BFF;
	s21 =	sshll.u32 s5, $0x1;
	s2 =	sadd.s32 s19, s18  }
0x9c: {  	s6 =	simm.s32 $0x0;
	s20 =	sshll.u32 s4, $0x1;
	s4 =	sadd.s32 s21, s2  }
0x9d: {  	[timem:s6], [sflag:s22] =	dma.local [hbm:s4], s20  }
0x9e: {  	_ =	swait.ge [sflag:s22], s20  }
0x9f: {  	s3 =	ssub.s32 $0x0, s20;
	[sflag:s22] =	ssyncset.done $0x0  }
0xa0: {  	[sflag:s22] =	ssyncadd.s32 s3;
	_ =	sdelay $0x1  }
0xa1: {  	s23 =	simm.s32 $0x1B8B  }
0xa2: {  	_ =	swait.ge [sflag:s23], $0x1  }
0xa3: {  	[sflag:s23] =	ssyncset.done $0x0  }
0xa4: {  	s25 =	simm.s32 $0x1B8E;
	s24 =	sld [smem:$0x3FFE];
	[sflag:s23] =	ssyncadd.s32 $0xFFFFFFFF  }
0xa5: {  	s26 =	simm.s32 $execute0_lowered;
	[smem:$0x3FD2] =	sst s25  }
0xa6: {  	s4 =	sshll.u32 s26, $0x1;
	_ =	strace $0x80000046;
	[dreg:$0x1] =	wrdreg $0xFFFFFFFF  }
0xa7: {  	s28 =	simm.s32 $_size_execute0_lowered;
	s2 =	sadd.s32 s2, s4;
	[dreg:$0x0] =	wrdreg $0x0  }
0xa8: {  	s4 =	sshll.u32 s28, $0x1;
	[dreg:$0x2] =	wrdreg s2  }
0xa9: {  	[dreg:$0x3] =	wrdreg s4  }
0xaa: {  	[dreg:$0x4] =	wrdreg $0xC0  }
0xab: {  	_ =	task [dreg:s6], $0x5FFFF  }
0xac: {  	[dreg:$0x1] =	wrdreg $0xFFFFFFFF  }
0xad: {  	[dreg:$0x0] =	wrdreg $0x60  }
0xae: {  	[dreg:$0x2] =	wrdreg s24  }
0xaf: {  	[dreg:$0x3] =	wrdreg $0x9  }
0xb0: {  	_ =	task.clear_ibuf [dreg:s6], $0x4FFFF;
	_ =	strace $0x90000046  }
0xb1: {  	s29 =	simm.s32 $0x9;
	_ =	strace $0x80000048  }
0xb2: {  	_ =	swait.ge [sflag:s29], $0x1  }
0xb3: {  	[sflag:s29] =	ssyncadd.s32 $0xFFFFFFFF  }
0xb4: {  	_ =	strace $0x90000048  }
0xb5: {  	_ =	sfence  }
0xb6: {  	s30 =	sld [smem:$0x0];
	_ =	sdelay $0x2  }
0xb7: {  	s31 =	sshll.u32 s1, $0xD;
	s1 =	sshrl.u32 s1, $0x2  }
0xb8: {  	s3 =	sand.u32 $0x4000, s31;
	s1 =	sadd.s32 s1, s30  }
0xb9: {  	s0 =	sor.u32 s3, s0;
	s1 =	sshll.u32 s1, $0x11  }
0xba: {  	s0 =	sor.u32 s1, s0  }
0xbb: {  	s0 =	sadd.s32 $0x8F2B, s0  }
0xbc: {  	[sflag:s0] =	ssyncadd.remote.s32 $0x1  }
0xbd: {  	_ =	sfence.sel $0xFFFF  }
0xbe: {  	[dreg:$0x0] =	wrdreg $0xFFFFFFFF;
	(pc) =	sbr.abs _section_cstart, $3  }
0xbf: {  	[dreg:$0x1] =	wrdreg $0xFFFFFFFF  }
0xc0: {  	_ =	task.clear_ibuf [dreg:s6], $0x2FFFF;
	_ =	strace $0x9FFFFFFF  }
0xc1: {  	(tm) =	ssettm $0x7FFFFFFF  }
tec
execute0_lowered:
.L_overlay_start_1:
0x0: {  	(tag) =	ssettag $0x1  }
0x1: {  	s3 =	rddreg [dreg:$0x0];
	s1 =	srdreg.scid  }
0x2: {  	s0 =	rddreg [dreg:$0x1];
	s2 =	simm.s32 $0x0;
	s18 =	sand.u32 $0x1, s1  }
0x3: {  	[smem:$0x7FF] =	sst s2;
	s1 =	stileid.u32;
	s16 =	sadd.s32 $0x400, s3  }
0x4: {  	s17 =	sadd.s32 $0xEAA00, s3;
	s4 =	ssub.s32 $0x2, s18;
	_ =	strace $0x80000047  }
0x5: {  	s15 =	smul.u32 $0x2580, s1;
	p1 =	seq.s32 s18, $0x0;
	p0 =	seq.s32 s18, $0x1  }
0x6: {  	p2 =	slt.u32 s1, $0x4;
	p3 =	sne.s32 s18, $0x0;
	s18 =	simm.s32 $0x0  }
0x7: {  	s5 =	sshrl.u32 s4, $0x1;
	p1 =	por !p2, !p1;
	p2 =	por !p2, !p0  }
0x8: {  	s19 =	ssub.s32 s4, s5;
	s3 =	sadd.s32 s16, s15;
	s4 =	sadd.s32 s17, s15  }
0x9: {  	s6 =	sadd.s32 $0x25800, s15;
	s8 =	sadd.s32 $0x4B000, s15;
	s10 =	sadd.s32 $0x70800, s15  }
0xa: {  	s12 =	sadd.s32 $0x96000, s15;
	s14 =	sadd.s32 $0xBB800, s15;
	p1 =	por !p1, !p1  }
0xb: {  	s20 =	sadd.s32 $0xE1000, s15;
	p2 =	por !p2, !p2;
	s5 =	sadd.s32 s16, s6  }
0xc: {  	s6 =	sadd.s32 s17, s6;
	s7 =	sadd.s32 s16, s8;
	s8 =	sadd.s32 s17, s8  }
0xd: {  	s9 =	sadd.s32 s16, s10;
	s10 =	sadd.s32 s17, s10;
	s11 =	sadd.s32 s16, s12  }
0xe: {  	s12 =	sadd.s32 s17, s12;
	s13 =	sadd.s32 s16, s14;
	s14 =	sadd.s32 s17, s14  }
0xf: {  	v0 =	vimm.f32 $0.0e+00;
	s15 =	sadd.s32 s16, s20;
	s16 =	sadd.s32 s17, s20;
	s17 =	smax.u32 s19, $0x1  }
.LBB2_1:
0x10: {  	s19 =	simm.s32 $0x0  }
0x11: {  	s19 =	smul.u32 $0x3000, s19;
	_ =	sdelay $0x1  }
0x12: {  	s20 =	sand.u32 $0x380, s2;
	s19 =	sshra.s32 s19, $0x2  }
0x13: {  	s19 =	sor.u32 s20, s19  }
0x14: {  	[tilespmem:s19+$0x840] =	vst.msk $0xf, v0  }
0x15: {  	[tilespmem:s19+$0x0] =	vst v0  }
0x16: {  	[tilespmem:s19+$0x10] =	vst v0  }
0x17: {  	[tilespmem:s19+$0x20] =	vst v0  }
0x18: {  	[tilespmem:s19+$0x30] =	vst v0  }
0x19: {  	[tilespmem:s19+$0x40] =	vst v0  }
0x1a: {  	[tilespmem:s19+$0x50] =	vst v0  }
0x1b: {  	[tilespmem:s19+$0x60] =	vst v0  }
0x1c: {  	[tilespmem:s19+$0x70] =	vst v0  }
0x1d: {  	[tilespmem:s19+$0x400] =	vst v0  }
0x1e: {  	[tilespmem:s19+$0x410] =	vst v0  }
0x1f: {  	[tilespmem:s19+$0x420] =	vst v0  }
0x20: {  	[tilespmem:s19+$0x430] =	vst v0  }
0x21: {  	[tilespmem:s19+$0x440] =	vst v0  }
0x22: {  	[tilespmem:s19+$0x450] =	vst v0  }
0x23: {  	[tilespmem:s19+$0x460] =	vst v0  }
0x24: {  	s22 =	simm.s32 $0x0;
	s21 =	simm.s32 $0x2;
	s20 =	simm.s32 $0x0;
	[tilespmem:s19+$0x470] =	vst v0  }
.LBB2_2:
0x25: {  	p4 =	sne.s32 s21, $0xC7;
	s22 =	smul.u32 $0x3000, s22;
	[tilespmem:s19+$0x800] =	vst v0  }
0x26: {  	s20 =	sadd.s32 $0x80, s20;
	[tilespmem:s19+$0x810] =	vst v0  }
0x27: {  	s23 =	sand.u32 $0x380, s20;
	s22 =	sshra.s32 s22, $0x2;
	[tilespmem:s19+$0x820] =	vst v0  }
0x28: {  	[tilespmem:s19+$0x830] =	vst v0;
	s19 =	sor.u32 s23, s22  }
0x29: {  	[tilespmem:s19+$0x840] =	vst.msk $0xf, v0  }
0x2a: {  	[tilespmem:s19+$0x0] =	vst v0  }
0x2b: {  	[tilespmem:s19+$0x10] =	vst v0  }
0x2c: {  	[tilespmem:s19+$0x20] =	vst v0  }
0x2d: {  	[tilespmem:s19+$0x30] =	vst v0  }
0x2e: {  	[tilespmem:s19+$0x40] =	vst v0  }
0x2f: {  	[tilespmem:s19+$0x50] =	vst v0  }
0x30: {  	[tilespmem:s19+$0x60] =	vst v0  }
0x31: {  	[tilespmem:s19+$0x70] =	vst v0  }
0x32: {  	[tilespmem:s19+$0x400] =	vst v0  }
0x33: {  	[tilespmem:s19+$0x410] =	vst v0  }
0x34: {  	[tilespmem:s19+$0x420] =	vst v0  }
.Ltmp0:
0x35: {  	[tilespmem:s19+$0x430] =	vst v0;
	(pc) =	sbr.rel @p4 .LBB2_2-.Ltmp0, $4  }
0x36: {  	[tilespmem:s19+$0x440] =	vst v0  }
0x37: {  	[tilespmem:s19+$0x450] =	vst v0  }
0x38: {  	[tilespmem:s19+$0x460] =	vst v0  }
0x39: {  	s22 =	sshrl.u32 s21, $0x3;
	s21 =	sadd.s32 $0x1, s21;
	[tilespmem:s19+$0x470] =	vst v0  }
0x3a: {  	s21 =	smul.u32 $0x3000, s22;
	[tilespmem:s19+$0x800] =	vst v0  }
0x3b: {  	[tilespmem:s19+$0x810] =	vst v0;
	s20 =	sadd.s32 $0x80, s20  }
0x3c: {  	[tilespmem:s19+$0x820] =	vst v0;
	s20 =	sand.u32 $0x380, s20;
	s21 =	sshra.s32 s21, $0x2  }
0x3d: {  	[tilespmem:s19+$0x830] =	vst v0;
	s20 =	sor.u32 s20, s21  }
0x3e: {  	[tilespmem:s20+$0x840] =	vst.msk $0xf, v0  }
0x3f: {  	[tilespmem:s20+$0x0] =	vst v0  }
0x40: {  	[tilespmem:s20+$0x10] =	vst v0  }
0x41: {  	[tilespmem:s20+$0x20] =	vst v0  }
0x42: {  	[tilespmem:s20+$0x30] =	vst v0  }
0x43: {  	[tilespmem:s20+$0x40] =	vst v0  }
0x44: {  	[tilespmem:s20+$0x50] =	vst v0  }
0x45: {  	[tilespmem:s20+$0x60] =	vst v0  }
0x46: {  	[tilespmem:s20+$0x70] =	vst v0  }
0x47: {  	[tilespmem:s20+$0x400] =	vst v0  }
0x48: {  	[tilespmem:s20+$0x410] =	vst v0  }
0x49: {  	[tilespmem:s20+$0x420] =	vst v0  }
0x4a: {  	[tilespmem:s20+$0x430] =	vst v0  }
0x4b: {  	[tilespmem:s20+$0x440] =	vst v0  }
0x4c: {  	[tilespmem:s20+$0x450] =	vst v0  }
0x4d: {  	[tilespmem:s20+$0x460] =	vst v0  }
0x4e: {  	[tilespmem:s20+$0x470] =	vst v0  }
0x4f: {  	[tilespmem:s20+$0x800] =	vst v0  }
0x50: {  	[tilespmem:s20+$0x810] =	vst v0  }
0x51: {  	[tilespmem:s20+$0x820] =	vst v0  }
0x52: {  	s19 =	simm.s32 @!p3 $0x0;
	[tilespmem:s20+$0x830] =	vst v0;
	s20 =	simm.s32 @!p3 $0x1  }
0x53: {  	[hbm4b:s3+s19] =	stream.linear.scatter @!p3 [tilespmem:s19], [sflag:$0x1], $0x12C00, $0x38;
	[tilespmem:$0x12C00] =	vst v63  }
0x54: {  	_ =	swait.ge @!p3 [sflag:s20], $0x12C00  }
0x55: {  	[sflag:s20] =	ssyncset.done @!p3 $0x0  }
0x56: {  	s22 =	simm.s32 @p0 $0x1;
	s21 =	simm.s32 @p0 $0x0;
	[sflag:s20] =	ssyncadd.s32 @!p3 $0xFFFED400  }
0x57: {  	[hbm4b:s4+s21] =	stream.linear.scatter @p0 [tilespmem:s21], [sflag:$0x1], $0x12C00, $0x38;
	[tilespmem:$0x12C00] =	vst v63  }
0x58: {  	_ =	swait.ge @p0 [sflag:s22], $0x12C00  }
0x59: {  	[sflag:s22] =	ssyncset.done @p0 $0x0  }
0x5a: {  	[sflag:s22] =	ssyncadd.s32 @p0 $0xFFFED400  }
0x5b: {  	[hbm4b:s5+s19] =	stream.linear.scatter @!p3 [tilespmem:s19], [sflag:$0x1], $0x12C00, $0x38;
	[tilespmem:$0x12C00] =	vst v63  }
0x5c: {  	_ =	swait.ge @!p3 [sflag:s20], $0x12C00  }
0x5d: {  	[sflag:s20] =	ssyncset.done @!p3 $0x0  }
0x5e: {  	[sflag:s20] =	ssyncadd.s32 @!p3 $0xFFFED400  }
0x5f: {  	[hbm4b:s6+s21] =	stream.linear.scatter @p0 [tilespmem:s21], [sflag:$0x1], $0x12C00, $0x38;
	[tilespmem:$0x12C00] =	vst v63  }
0x60: {  	_ =	swait.ge @p0 [sflag:s22], $0x12C00  }
0x61: {  	[sflag:s22] =	ssyncset.done @p0 $0x0  }
0x62: {  	[sflag:s22] =	ssyncadd.s32 @p0 $0xFFFED400  }
0x63: {  	[hbm4b:s7+s19] =	stream.linear.scatter @!p3 [tilespmem:s19], [sflag:$0x1], $0x12C00, $0x38;
	[tilespmem:$0x12C00] =	vst v63  }
0x64: {  	_ =	swait.ge @!p3 [sflag:s20], $0x12C00  }
0x65: {  	[sflag:s20] =	ssyncset.done @!p3 $0x0  }
0x66: {  	[sflag:s20] =	ssyncadd.s32 @!p3 $0xFFFED400  }
0x67: {  	[hbm4b:s8+s21] =	stream.linear.scatter @p0 [tilespmem:s21], [sflag:$0x1], $0x12C00, $0x38;
	[tilespmem:$0x12C00] =	vst v63  }
0x68: {  	_ =	swait.ge @p0 [sflag:s22], $0x12C00  }
0x69: {  	[sflag:s22] =	ssyncset.done @p0 $0x0  }
0x6a: {  	[sflag:s22] =	ssyncadd.s32 @p0 $0xFFFED400  }
0x6b: {  	[hbm4b:s9+s19] =	stream.linear.scatter @!p3 [tilespmem:s19], [sflag:$0x1], $0x12C00, $0x38;
	[tilespmem:$0x12C00] =	vst v63  }
0x6c: {  	_ =	swait.ge @!p3 [sflag:s20], $0x12C00  }
0x6d: {  	[sflag:s20] =	ssyncset.done @!p3 $0x0  }
0x6e: {  	[sflag:s20] =	ssyncadd.s32 @!p3 $0xFFFED400  }
0x6f: {  	[hbm4b:s10+s21] =	stream.linear.scatter @p0 [tilespmem:s21], [sflag:$0x1], $0x12C00, $0x38;
	[tilespmem:$0x12C00] =	vst v63  }
0x70: {  	_ =	swait.ge @p0 [sflag:s22], $0x12C00  }
0x71: {  	[sflag:s22] =	ssyncset.done @p0 $0x0  }
0x72: {  	[sflag:s22] =	ssyncadd.s32 @p0 $0xFFFED400  }
0x73: {  	[hbm4b:s11+s19] =	stream.linear.scatter @!p3 [tilespmem:s19], [sflag:$0x1], $0x12C00, $0x38;
	[tilespmem:$0x12C00] =	vst v63  }
0x74: {  	_ =	swait.ge @!p3 [sflag:s20], $0x12C00  }
0x75: {  	[sflag:s20] =	ssyncset.done @!p3 $0x0  }
0x76: {  	[sflag:s20] =	ssyncadd.s32 @!p3 $0xFFFED400  }
0x77: {  	[hbm4b:s12+s21] =	stream.linear.scatter @p0 [tilespmem:s21], [sflag:$0x1], $0x12C00, $0x38;
	[tilespmem:$0x12C00] =	vst v63  }
0x78: {  	_ =	swait.ge @p0 [sflag:s22], $0x12C00  }
0x79: {  	[sflag:s22] =	ssyncset.done @p0 $0x0  }
0x7a: {  	[sflag:s22] =	ssyncadd.s32 @p0 $0xFFFED400  }
0x7b: {  	[hbm4b:s13+s19] =	stream.linear.scatter @!p3 [tilespmem:s19], [sflag:$0x1], $0x12C00, $0x38;
	[tilespmem:$0x12C00] =	vst v63  }
0x7c: {  	_ =	swait.ge @!p3 [sflag:s20], $0x12C00  }
0x7d: {  	[sflag:s20] =	ssyncset.done @!p3 $0x0  }
0x7e: {  	[sflag:s20] =	ssyncadd.s32 @!p3 $0xFFFED400  }
0x7f: {  	[hbm4b:s14+s21] =	stream.linear.scatter @p0 [tilespmem:s21], [sflag:$0x1], $0x12C00, $0x38;
	[tilespmem:$0x12C00] =	vst v63  }
0x80: {  	_ =	swait.ge @p0 [sflag:s22], $0x12C00  }
0x81: {  	[sflag:s22] =	ssyncset.done @p0 $0x0  }
0x82: {  	s19 =	simm.s32 @p1 $0x0;
	[sflag:s22] =	ssyncadd.s32 @p0 $0xFFFED400  }
0x83: {  	[hbm4b:s15+s19] =	stream.linear.scatter @p1 [tilespmem:s19], [sflag:$0x1], $0x12C00, $0x38;
	[tilespmem:$0x12C00] =	vst v63  }
0x84: {  	s19 =	simm.s32 @p1 $0x1  }
0x85: {  	_ =	swait.ge @p1 [sflag:s19], $0x12C00  }
0x86: {  	s18 =	sadd.s32 $0x1, s18;
	[sflag:s19] =	ssyncset.done @p1 $0x0  }
0x87: {  	p4 =	sne.s32 s18, s17;
	[sflag:s19] =	ssyncadd.s32 @p1 $0xFFFED400;
	s19 =	simm.s32 @p2 $0x0  }
0x88: {  	[hbm4b:s16+s19] =	stream.linear.scatter @p2 [tilespmem:s19], [sflag:$0x1], $0x12C00, $0x38;
	[tilespmem:$0x12C00] =	vst v63  }
.Ltmp1:
0x89: {  	_ = 	snop;
	(pc) =	sbr.rel @p4 .LBB2_1-.Ltmp1, $4  }
0x8a: {  	s19 =	simm.s32 @p2 $0x1  }
0x8b: {  	_ =	swait.ge @p2 [sflag:s19], $0x12C00  }
0x8c: {  	[sflag:s19] =	ssyncset.done @p2 $0x0  }
0x8d: {  	[sflag:s19] =	ssyncadd.s32 @p2 $0xFFFED400  }
0x8e: {  	_ =	sfence.sel $0x180000  }
0x8f: {  	[bflag:$0x0] =	sbarrier.arrive $0xFFFF  }
0x90: {  	p0 =	sne.s32 s1, $0x0;
	_ =	strace $0x90000047  }
0x91: {  	s0 =	sadd.s32 @!p0 $0x100000, s0;
	[bflag:$0x2] =	sbarrier.arrive $0xFFFF  }
0x92: {  	[sflag:s0] =	ssyncadd.tile.s32 @!p0 $0x1;
	_ =	shalt  }
.Lfunc_end2:
_tile_overlayer_lowered:
.L_overlay_start_2:
0x93: {  	(tag) =	ssettag $0x2  }
0x94: {  	s0 =	rddreg [dreg:$0x0];
	s2 =	stileid.u32  }
0x95: {  	s1 =	rddreg [dreg:$0x1];
	p0 =	sne.s32 s2, $0x0  }
0x96: {  	s3 =	rddreg [dreg:$0x2];
	[bflag:$0x3] =	sbarrier.arrive $0xFFFF;
	s2 =	simm.s32 @!p0 $0x1C01  }
0x97: {  	[timem:s3], [sflag:s2] =	dma.local @!p0 [hbm:s0], s1  }
0x98: {  	s0 =	simm.s32 @!p0 $0x1  }
0x99: {  	_ =	swait.ge @!p0 [sflag:s0], s1  }
0x9a: {  	s1 =	ssub.s32 @!p0 $0x0, s1;
	[sflag:s0] =	ssyncset.done @!p0 $0x0  }
0x9b: {  	[sflag:s0] =	ssyncadd.s32 @!p0 s1  }
0x9c: {  	[bflag:$0x3] =	sbarrier.arrive $0xFFFF  }
0x9d: {  	_ =	shalt  }

</sc_bundles>
